<compile_context>
chip_gen: v7x
topology: tpu7x:2x2x1
jax: 0.10.2.dev20260603
libtpu: 0.0.44.dev20260713+nightly
codegen_flags: <defaults>
</compile_context>

<pallas_src>
import functools

import jax
import jax.numpy as jnp
from jax import lax
from jax.experimental import pallas as pl
from jax.experimental.pallas import tpu as pltpu
from jax.experimental.pallas import tpu_sc as plsc

NC = 2
NS = 16
NW = NC * NS
LANES = 16
K = 128

N = 10000
D = 128
NACC = 10112
RPT = NACC // NS
ZBS = (128, 128, 128, 128, 120)

E = 320000
CPS = 40
TOT_CH = 2560
SEG = 2
C1_BASE = NS * SEG * CPS
CPC = SEG * CPS
E_PAD = TOT_CH * K
EPT = E_PAD // NW

def _deg_body(dst_hbm, out_hbm, idx_v, deg_v):
    c = lax.axis_index("c")
    s = lax.axis_index("s")
    w = s * NC + c

    @pl.loop(0, NACC // LANES)
    def _zero(i):
        deg_v[0, pl.ds(i * LANES, LANES)] = jnp.zeros((LANES,), jnp.float32)

    pltpu.sync_copy(dst_hbm.at[w], idx_v)
    ones = jnp.ones((LANES,), jnp.float32)
    zrow = jnp.zeros((LANES,), jnp.int32)

    @pl.loop(0, EPT // LANES)
    def _hist(i):
        idx = idx_v[0, pl.ds(i * LANES, LANES)]
        plsc.addupdate_scatter(deg_v, [zrow, idx], ones)

    pltpu.sync_copy(deg_v, out_hbm.at[w])


@functools.lru_cache(maxsize=None)
def _deg_call():
    mesh = plsc.VectorSubcoreMesh(core_axis_name="c", subcore_axis_name="s",
                                  num_cores=NC, num_subcores=NS)
    return pl.kernel(
        _deg_body,
        out_type=jax.ShapeDtypeStruct((NW, 1, NACC), jnp.float32),
        mesh=mesh,
        compiler_params=pltpu.CompilerParams(needs_layout_passes=False),
        scratch_types=[
            pltpu.VMEM((1, EPT), jnp.int32),
            pltpu.VMEM((1, NACC), jnp.float32),
        ],
    )


def _agg_body(src_hbm, dst_hbm, g_hbm, out_hbm,
              acc, srca, dsta, rows0, rows1, sem0, sem1):
    c = lax.axis_index("c")
    s = lax.axis_index("s")

    @pl.loop(0, K)
    def _zr(r):
        @pl.loop(0, D // LANES)
        def _zc(j):
            rows0[r, pl.ds(j * LANES, LANES)] = jnp.zeros((LANES,), jnp.float32)

    off = 0
    for zb in ZBS:
        pltpu.sync_copy(rows0.at[pl.ds(0, zb)],
                        acc.at[pl.ds(s * RPT + off, zb)])
        off += zb
    plsc.subcore_barrier()

    bufs = ((rows0, sem0), (rows1, sem1))
    base = jnp.where(c == 0, s * CPC, C1_BASE + s * CPC)

    @pl.loop(0, SEG)
    def _segs(seg):
        sl = pl.ds(base + seg * CPS, CPS)
        pltpu.sync_copy(src_hbm.at[sl], srca)
        pltpu.sync_copy(dst_hbm.at[sl], dsta)
        pltpu.async_copy(g_hbm.at[srca.at[0]], rows0, sem0)
        pltpu.async_copy(g_hbm.at[srca.at[1]], rows1, sem1)

        @pl.loop(0, CPS // 2)
        def _chunks(i2):
            for b in range(2):
                i = i2 * 2 + b
                rb, sb = bufs[b]
                pltpu.make_async_copy(g_hbm.at[srca.at[i]], rb, sb).wait()
                pltpu.sync_copy(rb, acc.at[dsta.at[i]], add=True)

                @pl.when(i + 2 < CPS)
                def _next():
                    pltpu.async_copy(g_hbm.at[srca.at[i + 2]], rb, sb)

    plsc.subcore_barrier()
    off = 0
    for zb in ZBS:
        sl = pl.ds(s * RPT + off, zb)
        pltpu.sync_copy(acc.at[sl], out_hbm.at[c, sl])
        off += zb


@functools.lru_cache(maxsize=None)
def _agg_call():
    mesh = plsc.VectorSubcoreMesh(core_axis_name="c", subcore_axis_name="s",
                                  num_cores=NC, num_subcores=NS)
    return pl.kernel(
        _agg_body,
        out_type=jax.ShapeDtypeStruct((NC, NACC, D), jnp.float32),
        mesh=mesh,
        scratch_types=[
            pltpu.VMEM_SHARED((NACC, D), jnp.float32),
            pltpu.VMEM((CPS, K), jnp.int32),
            pltpu.VMEM((CPS, K), jnp.int32),
            pltpu.VMEM((K, D), jnp.float32),
            pltpu.VMEM((K, D), jnp.float32),
            pltpu.SemaphoreType.DMA,
            pltpu.SemaphoreType.DMA,
        ],
    )


BN = 256


def _dinv_block(dp):
    deg = jnp.sum(dp, axis=(0, 1)) + 1.0
    return lax.rsqrt(deg)


def _mm_scale_kernel(dp_ref, x_ref, w_ref, o_ref):
    dinv = _dinv_block(dp_ref[...])
    h = lax.dot_general(x_ref[...], w_ref[...], (((1,), (1,)), ((), ())),
                        preferred_element_type=jnp.float32)
    o_ref[...] = h * dinv[:, None]


def _layer_kernel(dp_ref, p_ref, g_ref, b_ref, w_ref, o_ref):
    dinv = _dinv_block(dp_ref[...])
    agg = p_ref[0] + p_ref[1] + g_ref[...]
    t = jnp.maximum(dinv[:, None] * agg + b_ref[...], 0.0)
    h = lax.dot_general(t, w_ref[...], (((1,), (1,)), ((), ())),
                        preferred_element_type=jnp.float32)
    o_ref[...] = h * dinv[:, None]


def _final_kernel(dp_ref, p_ref, g_ref, b_ref, o_ref):
    dinv = _dinv_block(dp_ref[...])
    agg = p_ref[0] + p_ref[1] + g_ref[...]
    o_ref[...] = jnp.maximum(dinv[:, None] * agg + b_ref[...], 0.0)


_GRID = ((N + BN - 1) // BN,)
_dp_spec = pl.BlockSpec((NW, 1, BN), lambda j: (0, 0, j))
_row_spec = pl.BlockSpec((BN, D), lambda j: (j, 0))
_p_spec = pl.BlockSpec((NC, BN, D), lambda j: (0, j, 0))
_b_spec = pl.BlockSpec((1, D), lambda j: (0, 0))
_w_spec = pl.BlockSpec((D, D), lambda j: (0, 0))


def _mm_scale(dp, x, w):
    return pl.pallas_call(
        _mm_scale_kernel,
        out_shape=jax.ShapeDtypeStruct((N, D), jnp.float32),
        grid=_GRID,
        in_specs=[_dp_spec, _row_spec, _w_spec],
        out_specs=_row_spec,
    )(dp, x, w)


def _layer(dp, p, g, b, w):
    return pl.pallas_call(
        _layer_kernel,
        out_shape=jax.ShapeDtypeStruct((N, D), jnp.float32),
        grid=_GRID,
        in_specs=[_dp_spec, _p_spec, _row_spec, _b_spec, _w_spec],
        out_specs=_row_spec,
    )(dp, p, g, b, w)


def _final(dp, p, g, b):
    return pl.pallas_call(
        _final_kernel,
        out_shape=jax.ShapeDtypeStruct((N, D), jnp.float32),
        grid=_GRID,
        in_specs=[_dp_spec, _p_spec, _row_spec, _b_spec],
        out_specs=_row_spec,
    )(dp, p, g, b)


def kernel(x, edge_index, W1, b1, W2, b2):
    src = edge_index[0]
    dst = edge_index[1]
    pad = E_PAD - E
    srcp = jnp.concatenate([src, jnp.arange(pad, dtype=jnp.int32) % N])
    dpad = N + jnp.arange(pad, dtype=jnp.int32) % (NACC - N)
    dstp = jnp.concatenate([dst, dpad])
    src3 = srcp.reshape(TOT_CH, K)
    dst3 = dstp.reshape(TOT_CH, K)
    dst2 = dstp.reshape(NW, 1, EPT)

    b1r = b1.reshape(1, D)
    b2r = b2.reshape(1, D)

    dp = _deg_call()(dst2)
    g1 = _mm_scale(dp, x, W1)
    p1 = _agg_call()(src3, dst3, g1)
    g2 = _layer(dp, p1, g1, b1r, W2)
    p2 = _agg_call()(src3, dst3, g2)
    return _final(dp, p2, g2, b2r)

# --- scband reference (transcript-rebuilt; emitter-appended) ---
"""Pipeline reference for scband-spatial-encoder-52621939311276 (READ-ONLY COPY).

The authoritative reference and input builder live on the scoring server;
editing this copy changes nothing except your own understanding.
"""

import jax, jax.numpy as jnp
import numpy as np

N = 10000
E = 320000
D_IN = 128
D_H = 128


def setup_inputs(seed: int = 0) -> dict:
    key = jax.random.key(seed)
    ks = jax.random.split(key, 6)
    x = jax.random.normal(ks[0], (N, D_IN), dtype=jnp.float32)
    edge_index = jax.random.randint(ks[1], (2, E), 0, N, dtype=jnp.int32)
    s1 = 1.0 / np.sqrt(D_IN)
    W1 = jax.random.uniform(ks[2], (D_H, D_IN), minval=-s1, maxval=s1, dtype=jnp.float32)
    b1 = jnp.zeros((D_H,), dtype=jnp.float32)
    s2 = 1.0 / np.sqrt(D_H)
    W2 = jax.random.uniform(ks[3], (D_H, D_H), minval=-s2, maxval=s2, dtype=jnp.float32)
    b2 = jnp.zeros((D_H,), dtype=jnp.float32)
    return {"x": x, "edge_index": edge_index, "W1": W1, "b1": b1, "W2": W2, "b2": b2}


def _gcn_conv(x, src, dst, W, b, num_nodes):
    # PyG GCNConv: linear transform, symmetric normalization with self-loops, scatter-add aggregation
    h = x @ W.T
    deg = jnp.zeros((num_nodes,), dtype=h.dtype).at[dst].add(1.0)
    dinv = jnp.where(deg > 0, jax.lax.rsqrt(jnp.where(deg > 0, deg, 1.0)), 0.0)
    norm = dinv[src] * dinv[dst]
    msgs = h[src] * norm[:, None]
    out = jax.ops.segment_sum(msgs, dst, num_segments=num_nodes)
    return out + b


def reference(x, edge_index, W1, b1, W2, b2):
    n = x.shape[0]
    loop = jnp.arange(n, dtype=edge_index.dtype)
    src = jnp.concatenate([edge_index[0], loop])
    dst = jnp.concatenate([edge_index[1], loop])
    h = jax.nn.relu(_gcn_conv(x, src, dst, W1, b1, n))
    out = jax.nn.relu(_gcn_conv(h, src, dst, W2, b2, n))
    return out

if __name__ == "__main__":
    import jax
    _d = setup_inputs()
    print(jax.jit(kernel)(*tuple(_d.values())))

</pallas_src>

<mosaic_0001>
#map = affine_map<(d0, d1) -> (0, 0, 0)>
module attributes {stable_mosaic.version = 14 : i64} {
  func.func @_deg_body(%arg0: i32, %arg1: i32, %arg2: memref<32x1x10240xi32, #tpu.memory_space<hbm>>, %arg3: memref<32x1x10112xf32, #tpu.memory_space<hbm>>, %arg4: memref<1x10240xi32, #tpu.memory_space<vmem>>, %arg5: memref<1x10112xf32, #tpu.memory_space<vmem>>) attributes {dimension_semantics = [#tpu.dimension_semantics<core_parallel>, #tpu.dimension_semantics<subcore_parallel>], iteration_bounds = array<i64: 2, 16>, scalar_prefetch = 0 : i64, scratch_operands = 2 : i64, tpu.core_type = #tpu.core_type<sc_vector_subcore>, window_params = [{transform_indices = #map}, {transform_indices = #map}]} {
    %mul3A = arith.constant 2 : i32
    %mul3A_0 = arith.muli %arg1, %mul3A : i32
    %add3A = arith.addi %mul3A_0, %arg0 : i32
    %scan3A = arith.constant 0 : i32
    %scan3A_1 = arith.constant 632 : i32
    %scan3A_2 = arith.addi %scan3A, %scan3A_1 : i32
    %scan3A_3 = arith.constant 1 : i32
    scf.for %scan3A_13 = %scan3A to %scan3A_2 step %scan3A_3  : i32 {
      %mul3A_14 = arith.constant 1 : i32
      %mul3A_15 = arith.muli %scan3A_13, %mul3A_14 : i32
      %add3A_16 = arith.constant 0 : i32
      %add3A_17 = arith.addi %add3A_16, %mul3A_15 : i32
      %broadcast_in_dim3A_18 = arith.constant 0.000000e+00 : f32
      %broadcast_in_dim3A_19 = vector.broadcast %broadcast_in_dim3A_18 : f32 to vector<16xf32>
      %mul3A_20 = arith.constant 16 : i32
      %mul3A_21 = arith.muli %add3A_17, %mul3A_20 : i32
      %swap3A = arith.constant 0 : i32
      %swap3A_22 = arith.index_cast %swap3A : i32 to index
      %swap3A_23 = arith.index_cast %mul3A_21 : i32 to index
      %swap3A_24 = tpu.vector_load %arg5[%swap3A_22, %swap3A_23] {strides = array<i32>} : memref<1x10112xf32, #tpu.memory_space<vmem>>, vector<16xf32>,
      tpu.vector_store %arg5[%swap3A_22, %swap3A_23], %broadcast_in_dim3A_19 {strides = array<i32>} : memref<1x10112xf32, #tpu.memory_space<vmem>>, vector<16xf32>,
    }
    %scan3A_4 = arith.constant 632 : i32
    "tpu.region"() ({
      %run_scoped3A = tpu.sem_alloc : memref<!tpu.dma_semaphore, #tpu.memory_space<semaphore_mem>>
      %dma_start3A = arith.constant 0 : i32
      %dma_start3A_13 = arith.constant 0 : i32
      %dma_start3A_14 = tpu.memref_slice %arg2[%add3A, %dma_start3A, %dma_start3A_13] : memref<32x1x10240xi32, #tpu.memory_space<hbm>> -> memref<1x1x10240xi32, #tpu.memory_space<hbm>>
      %dma_start3A_15 = tpu.memref_squeeze %dma_start3A_14 : memref<1x1x10240xi32, #tpu.memory_space<hbm>> -> memref<1x10240xi32, #tpu.memory_space<hbm>>
      %dma_start3A_16 = arith.constant 0 : i32
      %dma_start3A_17 = arith.constant 0 : i32
      %dma_start3A_18 = tpu.memref_slice %arg2[%add3A, %dma_start3A_16, %dma_start3A_17] : memref<32x1x10240xi32, #tpu.memory_space<hbm>> -> memref<1x1x10240xi32, #tpu.memory_space<hbm>>
      %dma_start3A_19 = tpu.memref_squeeze %dma_start3A_18 : memref<1x1x10240xi32, #tpu.memory_space<hbm>> -> memref<1x10240xi32, #tpu.memory_space<hbm>>
      tpu.enqueue_dma source(%dma_start3A_19 : memref<1x10240xi32, #tpu.memory_space<hbm>>) target(%arg4 : memref<1x10240xi32, #tpu.memory_space<vmem>>) target_semaphore(%run_scoped3A : memref<!tpu.dma_semaphore, #tpu.memory_space<semaphore_mem>>)
      %dma_wait3A = arith.constant 0 : i32
      %dma_wait3A_20 = arith.constant 0 : i32
      %dma_wait3A_21 = tpu.memref_slice %arg2[%add3A, %dma_wait3A, %dma_wait3A_20] : memref<32x1x10240xi32, #tpu.memory_space<hbm>> -> memref<1x1x10240xi32, #tpu.memory_space<hbm>>
      %dma_wait3A_22 = tpu.memref_squeeze %dma_wait3A_21 : memref<1x1x10240xi32, #tpu.memory_space<hbm>> -> memref<1x10240xi32, #tpu.memory_space<hbm>>
      %dma_wait3A_23 = arith.constant 0 : i32
      %dma_wait3A_24 = arith.constant 0 : i32
      %dma_wait3A_25 = tpu.memref_slice %arg2[%add3A, %dma_wait3A_23, %dma_wait3A_24] : memref<32x1x10240xi32, #tpu.memory_space<hbm>> -> memref<1x1x10240xi32, #tpu.memory_space<hbm>>
      %dma_wait3A_26 = tpu.memref_squeeze %dma_wait3A_25 : memref<1x1x10240xi32, #tpu.memory_space<hbm>> -> memref<1x10240xi32, #tpu.memory_space<hbm>>
      tpu.wait_dma2 semaphore(%run_scoped3A : memref<!tpu.dma_semaphore, #tpu.memory_space<semaphore_mem>>) src(%dma_wait3A_26 : memref<1x10240xi32, #tpu.memory_space<hbm>>) dst(%arg4 : memref<1x10240xi32, #tpu.memory_space<vmem>>)
      tpu.yield
    }) : () -> ()
    %broadcast_in_dim3A = arith.constant 1.000000e+00 : f32
    %broadcast_in_dim3A_5 = vector.broadcast %broadcast_in_dim3A : f32 to vector<16xf32>
    %broadcast_in_dim3A_6 = arith.constant 0 : i32
    %broadcast_in_dim3A_7 = vector.broadcast %broadcast_in_dim3A_6 : i32 to vector<16xi32>
    %scan3A_8 = arith.constant 0 : i32
    %scan3A_9 = arith.constant 640 : i32
    %scan3A_10 = arith.addi %scan3A_8, %scan3A_9 : i32
    %scan3A_11 = arith.constant 1 : i32
    scf.for %scan3A_13 = %scan3A_8 to %scan3A_10 step %scan3A_11  : i32 {
      %mul3A_14 = arith.constant 1 : i32
      %mul3A_15 = arith.muli %scan3A_13, %mul3A_14 : i32
      %add3A_16 = arith.constant 0 : i32
      %add3A_17 = arith.addi %add3A_16, %mul3A_15 : i32
      %mul3A_18 = arith.constant 16 : i32
      %mul3A_19 = arith.muli %add3A_17, %mul3A_18 : i32
      %get3A = arith.constant 0 : i32
      %get3A_20 = arith.index_cast %get3A : i32 to index
      %get3A_21 = arith.index_cast %mul3A_19 : i32 to index
      %get3A_22 = tpu.vector_load %arg4[%get3A_20, %get3A_21] {strides = array<i32>} : memref<1x10240xi32, #tpu.memory_space<vmem>>, vector<16xi32>,
      tpu.vector_store_idx %arg5[%broadcast_in_dim3A_7, %get3A_22], %broadcast_in_dim3A_5 {add = true} : memref<1x10112xf32, #tpu.memory_space<vmem>>[vector<16xi32>, vector<16xi32>], vector<16xf32>,
    }
    %scan3A_12 = arith.constant 640 : i32
    "tpu.region"() ({
      %run_scoped3A = tpu.sem_alloc : memref<!tpu.dma_semaphore, #tpu.memory_space<semaphore_mem>>
      %dma_start3A = arith.constant 0 : i32
      %dma_start3A_13 = arith.constant 0 : i32
      %dma_start3A_14 = tpu.memref_slice %arg3[%add3A, %dma_start3A, %dma_start3A_13] : memref<32x1x10112xf32, #tpu.memory_space<hbm>> -> memref<1x1x10112xf32, #tpu.memory_space<hbm>>
      %dma_start3A_15 = tpu.memref_squeeze %dma_start3A_14 : memref<1x1x10112xf32, #tpu.memory_space<hbm>> -> memref<1x10112xf32, #tpu.memory_space<hbm>>
      %dma_start3A_16 = arith.constant 0 : i32
      %dma_start3A_17 = arith.constant 0 : i32
      %dma_start3A_18 = tpu.memref_slice %arg3[%add3A, %dma_start3A_16, %dma_start3A_17] : memref<32x1x10112xf32, #tpu.memory_space<hbm>> -> memref<1x1x10112xf32, #tpu.memory_space<hbm>>
      %dma_start3A_19 = tpu.memref_squeeze %dma_start3A_18 : memref<1x1x10112xf32, #tpu.memory_space<hbm>> -> memref<1x10112xf32, #tpu.memory_space<hbm>>
      tpu.enqueue_dma source(%arg5 : memref<1x10112xf32, #tpu.memory_space<vmem>>) target(%dma_start3A_19 : memref<1x10112xf32, #tpu.memory_space<hbm>>) target_semaphore(%run_scoped3A : memref<!tpu.dma_semaphore, #tpu.memory_space<semaphore_mem>>)
      %dma_wait3A = arith.constant 0 : i32
      %dma_wait3A_20 = arith.constant 0 : i32
      %dma_wait3A_21 = tpu.memref_slice %arg3[%add3A, %dma_wait3A, %dma_wait3A_20] : memref<32x1x10112xf32, #tpu.memory_space<hbm>> -> memref<1x1x10112xf32, #tpu.memory_space<hbm>>
      %dma_wait3A_22 = tpu.memref_squeeze %dma_wait3A_21 : memref<1x1x10112xf32, #tpu.memory_space<hbm>> -> memref<1x10112xf32, #tpu.memory_space<hbm>>
      %dma_wait3A_23 = arith.constant 0 : i32
      %dma_wait3A_24 = arith.constant 0 : i32
      %dma_wait3A_25 = tpu.memref_slice %arg3[%add3A, %dma_wait3A_23, %dma_wait3A_24] : memref<32x1x10112xf32, #tpu.memory_space<hbm>> -> memref<1x1x10112xf32, #tpu.memory_space<hbm>>
      %dma_wait3A_26 = tpu.memref_squeeze %dma_wait3A_25 : memref<1x1x10112xf32, #tpu.memory_space<hbm>> -> memref<1x10112xf32, #tpu.memory_space<hbm>>
      tpu.wait_dma2 semaphore(%run_scoped3A : memref<!tpu.dma_semaphore, #tpu.memory_space<semaphore_mem>>) src(%arg5 : memref<1x10112xf32, #tpu.memory_space<vmem>>) dst(%dma_wait3A_26 : memref<1x10112xf32, #tpu.memory_space<hbm>>)
      tpu.yield
    }) : () -> ()
    return
  }
}

#map = affine_map<(d0, d1) -> (0, 0)>
#map1 = affine_map<(d0, d1) -> (0, 0, 0)>
module attributes {stable_mosaic.version = 14 : i64} {
  func.func @_agg_body(%arg0: i32, %arg1: i32, %arg2: memref<2560x128xi32, #tpu.memory_space<hbm>>, %arg3: memref<2560x128xi32, #tpu.memory_space<hbm>>, %arg4: memref<10000x128xf32, #tpu.memory_space<hbm>>, %arg5: memref<2x10112x128xf32, #tpu.memory_space<hbm>>, %arg6: memref<10112x128xf32, #tpu.memory_space<vmem_shared>>, %arg7: memref<40x128xi32, #tpu.memory_space<vmem>>, %arg8: memref<40x128xi32, #tpu.memory_space<vmem>>, %arg9: memref<128x128xf32, #tpu.memory_space<vmem>>, %arg10: memref<128x128xf32, #tpu.memory_space<vmem>>, %arg11: memref<!tpu.dma_semaphore, #tpu.memory_space<semaphore_mem>>, %arg12: memref<!tpu.dma_semaphore, #tpu.memory_space<semaphore_mem>>) attributes {dimension_semantics = [#tpu.dimension_semantics<core_parallel>, #tpu.dimension_semantics<subcore_parallel>], iteration_bounds = array<i64: 2, 16>, scalar_prefetch = 0 : i64, scratch_operands = 7 : i64, tpu.core_type = #tpu.core_type<sc_vector_subcore>, window_params = [{transform_indices = #map}, {transform_indices = #map}, {transform_indices = #map}, {transform_indices = #map1}]} {
    %scan3A = arith.constant 0 : i32
    %scan3A_0 = arith.constant 128 : i32
    %scan3A_1 = arith.addi %scan3A, %scan3A_0 : i32
    %scan3A_2 = arith.constant 1 : i32
    scf.for %scan3A_55 = %scan3A to %scan3A_1 step %scan3A_2  : i32 {
      %mul3A_56 = arith.constant 1 : i32
      %mul3A_57 = arith.muli %scan3A_55, %mul3A_56 : i32
      %add3A_58 = arith.constant 0 : i32
      %add3A_59 = arith.addi %add3A_58, %mul3A_57 : i32
      %scan3A_60 = arith.constant 0 : i32
      %scan3A_61 = arith.constant 8 : i32
      %scan3A_62 = arith.addi %scan3A_60, %scan3A_61 : i32
      %scan3A_63 = arith.constant 1 : i32
      scf.for %scan3A_65 = %scan3A_60 to %scan3A_62 step %scan3A_63  : i32 {
        %mul3A_66 = arith.constant 1 : i32
        %mul3A_67 = arith.muli %scan3A_65, %mul3A_66 : i32
        %add3A_68 = arith.constant 0 : i32
        %add3A_69 = arith.addi %add3A_68, %mul3A_67 : i32
        %broadcast_in_dim3A = arith.constant 0.000000e+00 : f32
        %broadcast_in_dim3A_70 = vector.broadcast %broadcast_in_dim3A : f32 to vector<16xf32>
        %mul3A_71 = arith.constant 16 : i32
        %mul3A_72 = arith.muli %add3A_69, %mul3A_71 : i32
        %swap3A = arith.index_cast %add3A_59 : i32 to index
        %swap3A_73 = arith.index_cast %mul3A_72 : i32 to index
        %swap3A_74 = tpu.vector_load %arg9[%swap3A, %swap3A_73] {strides = array<i32>} : memref<128x128xf32, #tpu.memory_space<vmem>>, vector<1x16xf32>,
        %swap3A_75 = vector.shape_cast %swap3A_74 : vector<1x16xf32> to vector<16xf32>
        %swap3A_76 = vector.shape_cast %broadcast_in_dim3A_70 : vector<16xf32> to vector<1x16xf32>
        tpu.vector_store %arg9[%swap3A, %swap3A_73], %swap3A_76 {strides = array<i32>} : memref<128x128xf32, #tpu.memory_space<vmem>>, vector<1x16xf32>,
      }
      %scan3A_64 = arith.constant 8 : i32
    }
    %scan3A_3 = arith.constant 128 : i32
    %mul3A = arith.constant 632 : i32
    %mul3A_4 = arith.muli %arg1, %mul3A : i32
    %add3A = arith.constant 0 : i32
    %add3A_5 = arith.addi %mul3A_4, %add3A : i32
    "tpu.region"() ({
      %run_scoped3A = tpu.sem_alloc : memref<!tpu.dma_semaphore, #tpu.memory_space<semaphore_mem>>
      %dma_start3A = arith.constant 0 : i32
      %dma_start3A_55 = arith.constant 0 : i32
      %dma_start3A_56 = tpu.memref_slice %arg9[%dma_start3A, %dma_start3A_55] : memref<128x128xf32, #tpu.memory_space<vmem>> -> memref<128x128xf32, #tpu.memory_space<vmem>>
      %dma_start3A_57 = arith.constant 0 : i32
      %dma_start3A_58 = tpu.memref_slice %arg6[%add3A_5, %dma_start3A_57] : memref<10112x128xf32, #tpu.memory_space<vmem_shared>> -> memref<128x128xf32, #tpu.memory_space<vmem_shared>>
      %dma_start3A_59 = arith.constant 0 : i32
      %dma_start3A_60 = tpu.memref_slice %arg6[%add3A_5, %dma_start3A_59] : memref<10112x128xf32, #tpu.memory_space<vmem_shared>> -> memref<128x128xf32, #tpu.memory_space<vmem_shared>>
      %dma_start3A_61 = arith.constant 0 : i32
      %dma_start3A_62 = arith.constant 0 : i32
      %dma_start3A_63 = tpu.memref_slice %arg9[%dma_start3A_61, %dma_start3A_62] : memref<128x128xf32, #tpu.memory_space<vmem>> -> memref<128x128xf32, #tpu.memory_space<vmem>>
      tpu.enqueue_dma source(%dma_start3A_63 : memref<128x128xf32, #tpu.memory_space<vmem>>) target(%dma_start3A_60 : memref<128x128xf32, #tpu.memory_space<vmem_shared>>) target_semaphore(%run_scoped3A : memref<!tpu.dma_semaphore, #tpu.memory_space<semaphore_mem>>)
      %dma_wait3A = arith.constant 0 : i32
      %dma_wait3A_64 = arith.constant 0 : i32
      %dma_wait3A_65 = tpu.memref_slice %arg9[%dma_wait3A, %dma_wait3A_64] : memref<128x128xf32, #tpu.memory_space<vmem>> -> memref<128x128xf32, #tpu.memory_space<vmem>>
      %dma_wait3A_66 = arith.constant 0 : i32
      %dma_wait3A_67 = tpu.memref_slice %arg6[%add3A_5, %dma_wait3A_66] : memref<10112x128xf32, #tpu.memory_space<vmem_shared>> -> memref<128x128xf32, #tpu.memory_space<vmem_shared>>
      %dma_wait3A_68 = arith.constant 0 : i32
      %dma_wait3A_69 = tpu.memref_slice %arg6[%add3A_5, %dma_wait3A_68] : memref<10112x128xf32, #tpu.memory_space<vmem_shared>> -> memref<128x128xf32, #tpu.memory_space<vmem_shared>>
      %dma_wait3A_70 = arith.constant 0 : i32
      %dma_wait3A_71 = arith.constant 0 : i32
      %dma_wait3A_72 = tpu.memref_slice %arg9[%dma_wait3A_70, %dma_wait3A_71] : memref<128x128xf32, #tpu.memory_space<vmem>> -> memref<128x128xf32, #tpu.memory_space<vmem>>
      tpu.wait_dma2 semaphore(%run_scoped3A : memref<!tpu.dma_semaphore, #tpu.memory_space<semaphore_mem>>) src(%dma_wait3A_72 : memref<128x128xf32, #tpu.memory_space<vmem>>) dst(%dma_wait3A_69 : memref<128x128xf32, #tpu.memory_space<vmem_shared>>)
      tpu.yield
    }) : () -> ()
    %mul3A_6 = arith.constant 632 : i32
    %mul3A_7 = arith.muli %arg1, %mul3A_6 : i32
    %add3A_8 = arith.constant 128 : i32
    %add3A_9 = arith.addi %mul3A_7, %add3A_8 : i32
    "tpu.region"() ({
      %run_scoped3A = tpu.sem_alloc : memref<!tpu.dma_semaphore, #tpu.memory_space<semaphore_mem>>
      %dma_start3A = arith.constant 0 : i32
      %dma_start3A_55 = arith.constant 0 : i32
      %dma_start3A_56 = tpu.memref_slice %arg9[%dma_start3A, %dma_start3A_55] : memref<128x128xf32, #tpu.memory_space<vmem>> -> memref<128x128xf32, #tpu.memory_space<vmem>>
      %dma_start3A_57 = arith.constant 0 : i32
      %dma_start3A_58 = tpu.memref_slice %arg6[%add3A_9, %dma_start3A_57] : memref<10112x128xf32, #tpu.memory_space<vmem_shared>> -> memref<128x128xf32, #tpu.memory_space<vmem_shared>>
      %dma_start3A_59 = arith.constant 0 : i32
      %dma_start3A_60 = tpu.memref_slice %arg6[%add3A_9, %dma_start3A_59] : memref<10112x128xf32, #tpu.memory_space<vmem_shared>> -> memref<128x128xf32, #tpu.memory_space<vmem_shared>>
      %dma_start3A_61 = arith.constant 0 : i32
      %dma_start3A_62 = arith.constant 0 : i32
      %dma_start3A_63 = tpu.memref_slice %arg9[%dma_start3A_61, %dma_start3A_62] : memref<128x128xf32, #tpu.memory_space<vmem>> -> memref<128x128xf32, #tpu.memory_space<vmem>>
      tpu.enqueue_dma source(%dma_start3A_63 : memref<128x128xf32, #tpu.memory_space<vmem>>) target(%dma_start3A_60 : memref<128x128xf32, #tpu.memory_space<vmem_shared>>) target_semaphore(%run_scoped3A : memref<!tpu.dma_semaphore, #tpu.memory_space<semaphore_mem>>)
      %dma_wait3A = arith.constant 0 : i32
      %dma_wait3A_64 = arith.constant 0 : i32
      %dma_wait3A_65 = tpu.memref_slice %arg9[%dma_wait3A, %dma_wait3A_64] : memref<128x128xf32, #tpu.memory_space<vmem>> -> memref<128x128xf32, #tpu.memory_space<vmem>>
      %dma_wait3A_66 = arith.constant 0 : i32
      %dma_wait3A_67 = tpu.memref_slice %arg6[%add3A_9, %dma_wait3A_66] : memref<10112x128xf32, #tpu.memory_space<vmem_shared>> -> memref<128x128xf32, #tpu.memory_space<vmem_shared>>
      %dma_wait3A_68 = arith.constant 0 : i32
      %dma_wait3A_69 = tpu.memref_slice %arg6[%add3A_9, %dma_wait3A_68] : memref<10112x128xf32, #tpu.memory_space<vmem_shared>> -> memref<128x128xf32, #tpu.memory_space<vmem_shared>>
      %dma_wait3A_70 = arith.constant 0 : i32
      %dma_wait3A_71 = arith.constant 0 : i32
      %dma_wait3A_72 = tpu.memref_slice %arg9[%dma_wait3A_70, %dma_wait3A_71] : memref<128x128xf32, #tpu.memory_space<vmem>> -> memref<128x128xf32, #tpu.memory_space<vmem>>
      tpu.wait_dma2 semaphore(%run_scoped3A : memref<!tpu.dma_semaphore, #tpu.memory_space<semaphore_mem>>) src(%dma_wait3A_72 : memref<128x128xf32, #tpu.memory_space<vmem>>) dst(%dma_wait3A_69 : memref<128x128xf32, #tpu.memory_space<vmem_shared>>)
      tpu.yield
    }) : () -> ()
    %mul3A_10 = arith.constant 632 : i32
    %mul3A_11 = arith.muli %arg1, %mul3A_10 : i32
    %add3A_12 = arith.constant 256 : i32
    %add3A_13 = arith.addi %mul3A_11, %add3A_12 : i32
    "tpu.region"() ({
      %run_scoped3A = tpu.sem_alloc : memref<!tpu.dma_semaphore, #tpu.memory_space<semaphore_mem>>
      %dma_start3A = arith.constant 0 : i32
      %dma_start3A_55 = arith.constant 0 : i32
      %dma_start3A_56 = tpu.memref_slice %arg9[%dma_start3A, %dma_start3A_55] : memref<128x128xf32, #tpu.memory_space<vmem>> -> memref<128x128xf32, #tpu.memory_space<vmem>>
      %dma_start3A_57 = arith.constant 0 : i32
      %dma_start3A_58 = tpu.memref_slice %arg6[%add3A_13, %dma_start3A_57] : memref<10112x128xf32, #tpu.memory_space<vmem_shared>> -> memref<128x128xf32, #tpu.memory_space<vmem_shared>>
      %dma_start3A_59 = arith.constant 0 : i32
      %dma_start3A_60 = tpu.memref_slice %arg6[%add3A_13, %dma_start3A_59] : memref<10112x128xf32, #tpu.memory_space<vmem_shared>> -> memref<128x128xf32, #tpu.memory_space<vmem_shared>>
      %dma_start3A_61 = arith.constant 0 : i32
      %dma_start3A_62 = arith.constant 0 : i32
      %dma_start3A_63 = tpu.memref_slice %arg9[%dma_start3A_61, %dma_start3A_62] : memref<128x128xf32, #tpu.memory_space<vmem>> -> memref<128x128xf32, #tpu.memory_space<vmem>>
      tpu.enqueue_dma source(%dma_start3A_63 : memref<128x128xf32, #tpu.memory_space<vmem>>) target(%dma_start3A_60 : memref<128x128xf32, #tpu.memory_space<vmem_shared>>) target_semaphore(%run_scoped3A : memref<!tpu.dma_semaphore, #tpu.memory_space<semaphore_mem>>)
      %dma_wait3A = arith.constant 0 : i32
      %dma_wait3A_64 = arith.constant 0 : i32
      %dma_wait3A_65 = tpu.memref_slice %arg9[%dma_wait3A, %dma_wait3A_64] : memref<128x128xf32, #tpu.memory_space<vmem>> -> memref<128x128xf32, #tpu.memory_space<vmem>>
      %dma_wait3A_66 = arith.constant 0 : i32
      %dma_wait3A_67 = tpu.memref_slice %arg6[%add3A_13, %dma_wait3A_66] : memref<10112x128xf32, #tpu.memory_space<vmem_shared>> -> memref<128x128xf32, #tpu.memory_space<vmem_shared>>
      %dma_wait3A_68 = arith.constant 0 : i32
      %dma_wait3A_69 = tpu.memref_slice %arg6[%add3A_13, %dma_wait3A_68] : memref<10112x128xf32, #tpu.memory_space<vmem_shared>> -> memref<128x128xf32, #tpu.memory_space<vmem_shared>>
      %dma_wait3A_70 = arith.constant 0 : i32
      %dma_wait3A_71 = arith.constant 0 : i32
      %dma_wait3A_72 = tpu.memref_slice %arg9[%dma_wait3A_70, %dma_wait3A_71] : memref<128x128xf32, #tpu.memory_space<vmem>> -> memref<128x128xf32, #tpu.memory_space<vmem>>
      tpu.wait_dma2 semaphore(%run_scoped3A : memref<!tpu.dma_semaphore, #tpu.memory_space<semaphore_mem>>) src(%dma_wait3A_72 : memref<128x128xf32, #tpu.memory_space<vmem>>) dst(%dma_wait3A_69 : memref<128x128xf32, #tpu.memory_space<vmem_shared>>)
      tpu.yield
    }) : () -> ()
    %mul3A_14 = arith.constant 632 : i32
    %mul3A_15 = arith.muli %arg1, %mul3A_14 : i32
    %add3A_16 = arith.constant 384 : i32
    %add3A_17 = arith.addi %mul3A_15, %add3A_16 : i32
    "tpu.region"() ({
      %run_scoped3A = tpu.sem_alloc : memref<!tpu.dma_semaphore, #tpu.memory_space<semaphore_mem>>
      %dma_start3A = arith.constant 0 : i32
      %dma_start3A_55 = arith.constant 0 : i32
      %dma_start3A_56 = tpu.memref_slice %arg9[%dma_start3A, %dma_start3A_55] : memref<128x128xf32, #tpu.memory_space<vmem>> -> memref<128x128xf32, #tpu.memory_space<vmem>>
      %dma_start3A_57 = arith.constant 0 : i32
      %dma_start3A_58 = tpu.memref_slice %arg6[%add3A_17, %dma_start3A_57] : memref<10112x128xf32, #tpu.memory_space<vmem_shared>> -> memref<128x128xf32, #tpu.memory_space<vmem_shared>>
      %dma_start3A_59 = arith.constant 0 : i32
      %dma_start3A_60 = tpu.memref_slice %arg6[%add3A_17, %dma_start3A_59] : memref<10112x128xf32, #tpu.memory_space<vmem_shared>> -> memref<128x128xf32, #tpu.memory_space<vmem_shared>>
      %dma_start3A_61 = arith.constant 0 : i32
      %dma_start3A_62 = arith.constant 0 : i32
      %dma_start3A_63 = tpu.memref_slice %arg9[%dma_start3A_61, %dma_start3A_62] : memref<128x128xf32, #tpu.memory_space<vmem>> -> memref<128x128xf32, #tpu.memory_space<vmem>>
      tpu.enqueue_dma source(%dma_start3A_63 : memref<128x128xf32, #tpu.memory_space<vmem>>) target(%dma_start3A_60 : memref<128x128xf32, #tpu.memory_space<vmem_shared>>) target_semaphore(%run_scoped3A : memref<!tpu.dma_semaphore, #tpu.memory_space<semaphore_mem>>)
      %dma_wait3A = arith.constant 0 : i32
      %dma_wait3A_64 = arith.constant 0 : i32
      %dma_wait3A_65 = tpu.memref_slice %arg9[%dma_wait3A, %dma_wait3A_64] : memref<128x128xf32, #tpu.memory_space<vmem>> -> memref<128x128xf32, #tpu.memory_space<vmem>>
      %dma_wait3A_66 = arith.constant 0 : i32
      %dma_wait3A_67 = tpu.memref_slice %arg6[%add3A_17, %dma_wait3A_66] : memref<10112x128xf32, #tpu.memory_space<vmem_shared>> -> memref<128x128xf32, #tpu.memory_space<vmem_shared>>
      %dma_wait3A_68 = arith.constant 0 : i32
      %dma_wait3A_69 = tpu.memref_slice %arg6[%add3A_17, %dma_wait3A_68] : memref<10112x128xf32, #tpu.memory_space<vmem_shared>> -> memref<128x128xf32, #tpu.memory_space<vmem_shared>>
      %dma_wait3A_70 = arith.constant 0 : i32
      %dma_wait3A_71 = arith.constant 0 : i32
      %dma_wait3A_72 = tpu.memref_slice %arg9[%dma_wait3A_70, %dma_wait3A_71] : memref<128x128xf32, #tpu.memory_space<vmem>> -> memref<128x128xf32, #tpu.memory_space<vmem>>
      tpu.wait_dma2 semaphore(%run_scoped3A : memref<!tpu.dma_semaphore, #tpu.memory_space<semaphore_mem>>) src(%dma_wait3A_72 : memref<128x128xf32, #tpu.memory_space<vmem>>) dst(%dma_wait3A_69 : memref<128x128xf32, #tpu.memory_space<vmem_shared>>)
      tpu.yield
    }) : () -> ()
    %mul3A_18 = arith.constant 632 : i32
    %mul3A_19 = arith.muli %arg1, %mul3A_18 : i32
    %add3A_20 = arith.constant 512 : i32
    %add3A_21 = arith.addi %mul3A_19, %add3A_20 : i32
    "tpu.region"() ({
      %run_scoped3A = tpu.sem_alloc : memref<!tpu.dma_semaphore, #tpu.memory_space<semaphore_mem>>
      %dma_start3A = arith.constant 0 : i32
      %dma_start3A_55 = arith.constant 0 : i32
      %dma_start3A_56 = tpu.memref_slice %arg9[%dma_start3A, %dma_start3A_55] : memref<128x128xf32, #tpu.memory_space<vmem>> -> memref<120x128xf32, #tpu.memory_space<vmem>>
      %dma_start3A_57 = arith.constant 0 : i32
      %dma_start3A_58 = tpu.memref_slice %arg6[%add3A_21, %dma_start3A_57] : memref<10112x128xf32, #tpu.memory_space<vmem_shared>> -> memref<120x128xf32, #tpu.memory_space<vmem_shared>>
      %dma_start3A_59 = arith.constant 0 : i32
      %dma_start3A_60 = tpu.memref_slice %arg6[%add3A_21, %dma_start3A_59] : memref<10112x128xf32, #tpu.memory_space<vmem_shared>> -> memref<120x128xf32, #tpu.memory_space<vmem_shared>>
      %dma_start3A_61 = arith.constant 0 : i32
      %dma_start3A_62 = arith.constant 0 : i32
      %dma_start3A_63 = tpu.memref_slice %arg9[%dma_start3A_61, %dma_start3A_62] : memref<128x128xf32, #tpu.memory_space<vmem>> -> memref<120x128xf32, #tpu.memory_space<vmem>>
      tpu.enqueue_dma source(%dma_start3A_63 : memref<120x128xf32, #tpu.memory_space<vmem>>) target(%dma_start3A_60 : memref<120x128xf32, #tpu.memory_space<vmem_shared>>) target_semaphore(%run_scoped3A : memref<!tpu.dma_semaphore, #tpu.memory_space<semaphore_mem>>)
      %dma_wait3A = arith.constant 0 : i32
      %dma_wait3A_64 = arith.constant 0 : i32
      %dma_wait3A_65 = tpu.memref_slice %arg9[%dma_wait3A, %dma_wait3A_64] : memref<128x128xf32, #tpu.memory_space<vmem>> -> memref<120x128xf32, #tpu.memory_space<vmem>>
      %dma_wait3A_66 = arith.constant 0 : i32
      %dma_wait3A_67 = tpu.memref_slice %arg6[%add3A_21, %dma_wait3A_66] : memref<10112x128xf32, #tpu.memory_space<vmem_shared>> -> memref<120x128xf32, #tpu.memory_space<vmem_shared>>
      %dma_wait3A_68 = arith.constant 0 : i32
      %dma_wait3A_69 = tpu.memref_slice %arg6[%add3A_21, %dma_wait3A_68] : memref<10112x128xf32, #tpu.memory_space<vmem_shared>> -> memref<120x128xf32, #tpu.memory_space<vmem_shared>>
      %dma_wait3A_70 = arith.constant 0 : i32
      %dma_wait3A_71 = arith.constant 0 : i32
      %dma_wait3A_72 = tpu.memref_slice %arg9[%dma_wait3A_70, %dma_wait3A_71] : memref<128x128xf32, #tpu.memory_space<vmem>> -> memref<120x128xf32, #tpu.memory_space<vmem>>
      tpu.wait_dma2 semaphore(%run_scoped3A : memref<!tpu.dma_semaphore, #tpu.memory_space<semaphore_mem>>) src(%dma_wait3A_72 : memref<120x128xf32, #tpu.memory_space<vmem>>) dst(%dma_wait3A_69 : memref<120x128xf32, #tpu.memory_space<vmem_shared>>)
      tpu.yield
    }) : () -> ()
    %barrier3A = arith.constant 0 : index
    tpu.barrier barrier_id(%barrier3A)
    %eq3A = arith.constant 0 : i32
    %eq3A_22 = arith.cmpi eq, %arg0, %eq3A : i32
    %mul3A_23 = arith.constant 80 : i32
    %mul3A_24 = arith.muli %arg1, %mul3A_23 : i32
    %mul3A_25 = arith.constant 80 : i32
    %mul3A_26 = arith.muli %arg1, %mul3A_25 : i32
    %add3A_27 = arith.constant 1280 : i32
    %add3A_28 = arith.addi %add3A_27, %mul3A_26 : i32
    %select_n3A = arith.select %eq3A_22, %mul3A_24, %add3A_28 : i32
    %scan3A_29 = arith.constant 0 : i32
    %scan3A_30 = arith.constant 2 : i32
    %scan3A_31 = arith.addi %scan3A_29, %scan3A_30 : i32
    %scan3A_32 = arith.constant 1 : i32
    scf.for %scan3A_55 = %scan3A_29 to %scan3A_31 step %scan3A_32  : i32 {
      %mul3A_56 = arith.constant 1 : i32
      %mul3A_57 = arith.muli %scan3A_55, %mul3A_56 : i32
      %add3A_58 = arith.constant 0 : i32
      %add3A_59 = arith.addi %add3A_58, %mul3A_57 : i32
      %mul3A_60 = arith.constant 40 : i32
      %mul3A_61 = arith.muli %add3A_59, %mul3A_60 : i32
      %add3A_62 = arith.addi %select_n3A, %mul3A_61 : i32
      "tpu.region"() ({
        %run_scoped3A = tpu.sem_alloc : memref<!tpu.dma_semaphore, #tpu.memory_space<semaphore_mem>>
        %dma_start3A_81 = arith.constant 0 : i32
        %dma_start3A_82 = tpu.memref_slice %arg2[%add3A_62, %dma_start3A_81] : memref<2560x128xi32, #tpu.memory_space<hbm>> -> memref<40x128xi32, #tpu.memory_space<hbm>>
        %dma_start3A_83 = arith.constant 0 : i32
        %dma_start3A_84 = tpu.memref_slice %arg2[%add3A_62, %dma_start3A_83] : memref<2560x128xi32, #tpu.memory_space<hbm>> -> memref<40x128xi32, #tpu.memory_space<hbm>>
        tpu.enqueue_dma source(%dma_start3A_84 : memref<40x128xi32, #tpu.memory_space<hbm>>) target(%arg7 : memref<40x128xi32, #tpu.memory_space<vmem>>) target_semaphore(%run_scoped3A : memref<!tpu.dma_semaphore, #tpu.memory_space<semaphore_mem>>)
        %dma_wait3A = arith.constant 0 : i32
        %dma_wait3A_85 = tpu.memref_slice %arg2[%add3A_62, %dma_wait3A] : memref<2560x128xi32, #tpu.memory_space<hbm>> -> memref<40x128xi32, #tpu.memory_space<hbm>>
        %dma_wait3A_86 = arith.constant 0 : i32
        %dma_wait3A_87 = tpu.memref_slice %arg2[%add3A_62, %dma_wait3A_86] : memref<2560x128xi32, #tpu.memory_space<hbm>> -> memref<40x128xi32, #tpu.memory_space<hbm>>
        tpu.wait_dma2 semaphore(%run_scoped3A : memref<!tpu.dma_semaphore, #tpu.memory_space<semaphore_mem>>) src(%dma_wait3A_87 : memref<40x128xi32, #tpu.memory_space<hbm>>) dst(%arg7 : memref<40x128xi32, #tpu.memory_space<vmem>>)
        tpu.yield
      }) : () -> ()
      "tpu.region"() ({
        %run_scoped3A = tpu.sem_alloc : memref<!tpu.dma_semaphore, #tpu.memory_space<semaphore_mem>>
        %dma_start3A_81 = arith.constant 0 : i32
        %dma_start3A_82 = tpu.memref_slice %arg3[%add3A_62, %dma_start3A_81] : memref<2560x128xi32, #tpu.memory_space<hbm>> -> memref<40x128xi32, #tpu.memory_space<hbm>>
        %dma_start3A_83 = arith.constant 0 : i32
        %dma_start3A_84 = tpu.memref_slice %arg3[%add3A_62, %dma_start3A_83] : memref<2560x128xi32, #tpu.memory_space<hbm>> -> memref<40x128xi32, #tpu.memory_space<hbm>>
        tpu.enqueue_dma source(%dma_start3A_84 : memref<40x128xi32, #tpu.memory_space<hbm>>) target(%arg8 : memref<40x128xi32, #tpu.memory_space<vmem>>) target_semaphore(%run_scoped3A : memref<!tpu.dma_semaphore, #tpu.memory_space<semaphore_mem>>)
        %dma_wait3A = arith.constant 0 : i32
        %dma_wait3A_85 = tpu.memref_slice %arg3[%add3A_62, %dma_wait3A] : memref<2560x128xi32, #tpu.memory_space<hbm>> -> memref<40x128xi32, #tpu.memory_space<hbm>>
        %dma_wait3A_86 = arith.constant 0 : i32
        %dma_wait3A_87 = tpu.memref_slice %arg3[%add3A_62, %dma_wait3A_86] : memref<2560x128xi32, #tpu.memory_space<hbm>> -> memref<40x128xi32, #tpu.memory_space<hbm>>
        tpu.wait_dma2 semaphore(%run_scoped3A : memref<!tpu.dma_semaphore, #tpu.memory_space<semaphore_mem>>) src(%dma_wait3A_87 : memref<40x128xi32, #tpu.memory_space<hbm>>) dst(%arg8 : memref<40x128xi32, #tpu.memory_space<vmem>>)
        tpu.yield
      }) : () -> ()
      %dma_start3A = arith.constant 0 : i32
      %dma_start3A_63 = arith.constant 0 : i32
      %dma_start3A_64 = tpu.memref_slice %arg7[%dma_start3A, %dma_start3A_63] : memref<40x128xi32, #tpu.memory_space<vmem>> -> memref<1x128xi32, #tpu.memory_space<vmem>>
      %dma_start3A_65 = tpu.memref_squeeze %dma_start3A_64 : memref<1x128xi32, #tpu.memory_space<vmem>> -> memref<128xi32, #tpu.memory_space<vmem>>
      %dma_start3A_66 = arith.constant 0 : i32
      %dma_start3A_67 = arith.constant 0 : i32
      %dma_start3A_68 = tpu.memref_slice %arg4[%dma_start3A_66, %dma_start3A_67] : memref<10000x128xf32, #tpu.memory_space<hbm>> -> memref<10000x128xf32, #tpu.memory_space<hbm>>
      tpu.enqueue_indirect_dma source(%dma_start3A_68 : memref<10000x128xf32, #tpu.memory_space<hbm>>) target(%arg9 : memref<128x128xf32, #tpu.memory_space<vmem>>) offsets(%dma_start3A_65 : memref<128xi32, #tpu.memory_space<vmem>>) semaphore(%arg11 : memref<!tpu.dma_semaphore, #tpu.memory_space<semaphore_mem>>)
      %dma_start3A_69 = arith.constant 1 : i32
      %dma_start3A_70 = arith.constant 0 : i32
      %dma_start3A_71 = tpu.memref_slice %arg7[%dma_start3A_69, %dma_start3A_70] : memref<40x128xi32, #tpu.memory_space<vmem>> -> memref<1x128xi32, #tpu.memory_space<vmem>>
      %dma_start3A_72 = tpu.memref_squeeze %dma_start3A_71 : memref<1x128xi32, #tpu.memory_space<vmem>> -> memref<128xi32, #tpu.memory_space<vmem>>
      %dma_start3A_73 = arith.constant 0 : i32
      %dma_start3A_74 = arith.constant 0 : i32
      %dma_start3A_75 = tpu.memref_slice %arg4[%dma_start3A_73, %dma_start3A_74] : memref<10000x128xf32, #tpu.memory_space<hbm>> -> memref<10000x128xf32, #tpu.memory_space<hbm>>
      tpu.enqueue_indirect_dma source(%dma_start3A_75 : memref<10000x128xf32, #tpu.memory_space<hbm>>) target(%arg10 : memref<128x128xf32, #tpu.memory_space<vmem>>) offsets(%dma_start3A_72 : memref<128xi32, #tpu.memory_space<vmem>>) semaphore(%arg12 : memref<!tpu.dma_semaphore, #tpu.memory_space<semaphore_mem>>)
      %scan3A_76 = arith.constant 0 : i32
      %scan3A_77 = arith.constant 20 : i32
      %scan3A_78 = arith.addi %scan3A_76, %scan3A_77 : i32
      %scan3A_79 = arith.constant 1 : i32
      scf.for %scan3A_81 = %scan3A_76 to %scan3A_78 step %scan3A_79  : i32 {
        %mul3A_82 = arith.constant 1 : i32
        %mul3A_83 = arith.muli %scan3A_81, %mul3A_82 : i32
        %add3A_84 = arith.constant 0 : i32
        %add3A_85 = arith.addi %add3A_84, %mul3A_83 : i32
        %mul3A_86 = arith.constant 2 : i32
        %mul3A_87 = arith.muli %add3A_85, %mul3A_86 : i32
        %add3A_88 = arith.constant 0 : i32
        %add3A_89 = arith.addi %mul3A_87, %add3A_88 : i32
        %dma_wait3A = arith.constant 0 : i32
        %dma_wait3A_90 = tpu.memref_slice %arg7[%add3A_89, %dma_wait3A] : memref<40x128xi32, #tpu.memory_space<vmem>> -> memref<1x128xi32, #tpu.memory_space<vmem>>
        %dma_wait3A_91 = tpu.memref_squeeze %dma_wait3A_90 : memref<1x128xi32, #tpu.memory_space<vmem>> -> memref<128xi32, #tpu.memory_space<vmem>>
        %dma_wait3A_92 = arith.constant 0 : i32
        %dma_wait3A_93 = arith.constant 0 : i32
        %dma_wait3A_94 = tpu.memref_slice %arg4[%dma_wait3A_92, %dma_wait3A_93] : memref<10000x128xf32, #tpu.memory_space<hbm>> -> memref<10000x128xf32, #tpu.memory_space<hbm>>
        tpu.wait_indirect_dma semaphore(%arg11 : memref<!tpu.dma_semaphore, #tpu.memory_space<semaphore_mem>>) src(%dma_wait3A_94 : memref<10000x128xf32, #tpu.memory_space<hbm>>) dst(%arg9 : memref<128x128xf32, #tpu.memory_space<vmem>>)
        "tpu.region"() ({
          %run_scoped3A = tpu.sem_alloc : memref<!tpu.dma_semaphore, #tpu.memory_space<semaphore_mem>>
          %dma_start3A_116 = arith.constant 0 : i32
          %dma_start3A_117 = tpu.memref_slice %arg8[%add3A_89, %dma_start3A_116] : memref<40x128xi32, #tpu.memory_space<vmem>> -> memref<1x128xi32, #tpu.memory_space<vmem>>
          %dma_start3A_118 = tpu.memref_squeeze %dma_start3A_117 : memref<1x128xi32, #tpu.memory_space<vmem>> -> memref<128xi32, #tpu.memory_space<vmem>>
          %dma_start3A_119 = arith.constant 0 : i32
          %dma_start3A_120 = arith.constant 0 : i32
          %dma_start3A_121 = tpu.memref_slice %arg6[%dma_start3A_119, %dma_start3A_120] : memref<10112x128xf32, #tpu.memory_space<vmem_shared>> -> memref<10112x128xf32, #tpu.memory_space<vmem_shared>>
          tpu.enqueue_indirect_dma source(%arg9 : memref<128x128xf32, #tpu.memory_space<vmem>>) target(%dma_start3A_121 : memref<10112x128xf32, #tpu.memory_space<vmem_shared>>) offsets(%dma_start3A_118 : memref<128xi32, #tpu.memory_space<vmem>>) semaphore(%run_scoped3A : memref<!tpu.dma_semaphore, #tpu.memory_space<semaphore_mem>>) {add = true}
          %dma_wait3A_122 = arith.constant 0 : i32
          %dma_wait3A_123 = tpu.memref_slice %arg8[%add3A_89, %dma_wait3A_122] : memref<40x128xi32, #tpu.memory_space<vmem>> -> memref<1x128xi32, #tpu.memory_space<vmem>>
          %dma_wait3A_124 = tpu.memref_squeeze %dma_wait3A_123 : memref<1x128xi32, #tpu.memory_space<vmem>> -> memref<128xi32, #tpu.memory_space<vmem>>
          %dma_wait3A_125 = arith.constant 0 : i32
          %dma_wait3A_126 = arith.constant 0 : i32
          %dma_wait3A_127 = tpu.memref_slice %arg6[%dma_wait3A_125, %dma_wait3A_126] : memref<10112x128xf32, #tpu.memory_space<vmem_shared>> -> memref<10112x128xf32, #tpu.memory_space<vmem_shared>>
          tpu.wait_indirect_dma semaphore(%run_scoped3A : memref<!tpu.dma_semaphore, #tpu.memory_space<semaphore_mem>>) src(%arg9 : memref<128x128xf32, #tpu.memory_space<vmem>>) dst(%dma_wait3A_127 : memref<10112x128xf32, #tpu.memory_space<vmem_shared>>)
          tpu.yield
        }) : () -> ()
        %add3A_95 = arith.constant 2 : i32
        %add3A_96 = arith.addi %add3A_89, %add3A_95 : i32
        %lt3A = arith.constant 40 : i32
        %lt3A_97 = arith.cmpi slt, %add3A_96, %lt3A : i32
        %convert_element_type3A = arith.extui %lt3A_97 : i1 to i32
        %cond3A = arith.constant 0 : i32
        %cond3A_98 = arith.cmpi ne, %convert_element_type3A, %cond3A : i32
        scf.if %cond3A_98 {
          %add3A_116 = arith.constant 2 : i32
          %add3A_117 = arith.addi %add3A_89, %add3A_116 : i32
          %dma_start3A_118 = arith.constant 0 : i32
          %dma_start3A_119 = tpu.memref_slice %arg7[%add3A_117, %dma_start3A_118] : memref<40x128xi32, #tpu.memory_space<vmem>> -> memref<1x128xi32, #tpu.memory_space<vmem>>
          %dma_start3A_120 = tpu.memref_squeeze %dma_start3A_119 : memref<1x128xi32, #tpu.memory_space<vmem>> -> memref<128xi32, #tpu.memory_space<vmem>>
          %dma_start3A_121 = arith.constant 0 : i32
          %dma_start3A_122 = arith.constant 0 : i32
          %dma_start3A_123 = tpu.memref_slice %arg4[%dma_start3A_121, %dma_start3A_122] : memref<10000x128xf32, #tpu.memory_space<hbm>> -> memref<10000x128xf32, #tpu.memory_space<hbm>>
          tpu.enqueue_indirect_dma source(%dma_start3A_123 : memref<10000x128xf32, #tpu.memory_space<hbm>>) target(%arg9 : memref<128x128xf32, #tpu.memory_space<vmem>>) offsets(%dma_start3A_120 : memref<128xi32, #tpu.memory_space<vmem>>) semaphore(%arg11 : memref<!tpu.dma_semaphore, #tpu.memory_space<semaphore_mem>>)
        } else {
        }
        %mul3A_99 = arith.constant 2 : i32
        %mul3A_100 = arith.muli %add3A_85, %mul3A_99 : i32
        %add3A_101 = arith.constant 1 : i32
        %add3A_102 = arith.addi %mul3A_100, %add3A_101 : i32
        %dma_wait3A_103 = arith.constant 0 : i32
        %dma_wait3A_104 = tpu.memref_slice %arg7[%add3A_102, %dma_wait3A_103] : memref<40x128xi32, #tpu.memory_space<vmem>> -> memref<1x128xi32, #tpu.memory_space<vmem>>
        %dma_wait3A_105 = tpu.memref_squeeze %dma_wait3A_104 : memref<1x128xi32, #tpu.memory_space<vmem>> -> memref<128xi32, #tpu.memory_space<vmem>>
        %dma_wait3A_106 = arith.constant 0 : i32
        %dma_wait3A_107 = arith.constant 0 : i32
        %dma_wait3A_108 = tpu.memref_slice %arg4[%dma_wait3A_106, %dma_wait3A_107] : memref<10000x128xf32, #tpu.memory_space<hbm>> -> memref<10000x128xf32, #tpu.memory_space<hbm>>
        tpu.wait_indirect_dma semaphore(%arg12 : memref<!tpu.dma_semaphore, #tpu.memory_space<semaphore_mem>>) src(%dma_wait3A_108 : memref<10000x128xf32, #tpu.memory_space<hbm>>) dst(%arg10 : memref<128x128xf32, #tpu.memory_space<vmem>>)
        "tpu.region"() ({
          %run_scoped3A = tpu.sem_alloc : memref<!tpu.dma_semaphore, #tpu.memory_space<semaphore_mem>>
          %dma_start3A_116 = arith.constant 0 : i32
          %dma_start3A_117 = tpu.memref_slice %arg8[%add3A_102, %dma_start3A_116] : memref<40x128xi32, #tpu.memory_space<vmem>> -> memref<1x128xi32, #tpu.memory_space<vmem>>
          %dma_start3A_118 = tpu.memref_squeeze %dma_start3A_117 : memref<1x128xi32, #tpu.memory_space<vmem>> -> memref<128xi32, #tpu.memory_space<vmem>>
          %dma_start3A_119 = arith.constant 0 : i32
          %dma_start3A_120 = arith.constant 0 : i32
          %dma_start3A_121 = tpu.memref_slice %arg6[%dma_start3A_119, %dma_start3A_120] : memref<10112x128xf32, #tpu.memory_space<vmem_shared>> -> memref<10112x128xf32, #tpu.memory_space<vmem_shared>>
          tpu.enqueue_indirect_dma source(%arg10 : memref<128x128xf32, #tpu.memory_space<vmem>>) target(%dma_start3A_121 : memref<10112x128xf32, #tpu.memory_space<vmem_shared>>) offsets(%dma_start3A_118 : memref<128xi32, #tpu.memory_space<vmem>>) semaphore(%run_scoped3A : memref<!tpu.dma_semaphore, #tpu.memory_space<semaphore_mem>>) {add = true}
          %dma_wait3A_122 = arith.constant 0 : i32
          %dma_wait3A_123 = tpu.memref_slice %arg8[%add3A_102, %dma_wait3A_122] : memref<40x128xi32, #tpu.memory_space<vmem>> -> memref<1x128xi32, #tpu.memory_space<vmem>>
          %dma_wait3A_124 = tpu.memref_squeeze %dma_wait3A_123 : memref<1x128xi32, #tpu.memory_space<vmem>> -> memref<128xi32, #tpu.memory_space<vmem>>
          %dma_wait3A_125 = arith.constant 0 : i32
          %dma_wait3A_126 = arith.constant 0 : i32
          %dma_wait3A_127 = tpu.memref_slice %arg6[%dma_wait3A_125, %dma_wait3A_126] : memref<10112x128xf32, #tpu.memory_space<vmem_shared>> -> memref<10112x128xf32, #tpu.memory_space<vmem_shared>>
          tpu.wait_indirect_dma semaphore(%run_scoped3A : memref<!tpu.dma_semaphore, #tpu.memory_space<semaphore_mem>>) src(%arg10 : memref<128x128xf32, #tpu.memory_space<vmem>>) dst(%dma_wait3A_127 : memref<10112x128xf32, #tpu.memory_space<vmem_shared>>)
          tpu.yield
        }) : () -> ()
        %add3A_109 = arith.constant 2 : i32
        %add3A_110 = arith.addi %add3A_102, %add3A_109 : i32
        %lt3A_111 = arith.constant 40 : i32
        %lt3A_112 = arith.cmpi slt, %add3A_110, %lt3A_111 : i32
        %convert_element_type3A_113 = arith.extui %lt3A_112 : i1 to i32
        %cond3A_114 = arith.constant 0 : i32
        %cond3A_115 = arith.cmpi ne, %convert_element_type3A_113, %cond3A_114 : i32
        scf.if %cond3A_115 {
          %add3A_116 = arith.constant 2 : i32
          %add3A_117 = arith.addi %add3A_102, %add3A_116 : i32
          %dma_start3A_118 = arith.constant 0 : i32
          %dma_start3A_119 = tpu.memref_slice %arg7[%add3A_117, %dma_start3A_118] : memref<40x128xi32, #tpu.memory_space<vmem>> -> memref<1x128xi32, #tpu.memory_space<vmem>>
          %dma_start3A_120 = tpu.memref_squeeze %dma_start3A_119 : memref<1x128xi32, #tpu.memory_space<vmem>> -> memref<128xi32, #tpu.memory_space<vmem>>
          %dma_start3A_121 = arith.constant 0 : i32
          %dma_start3A_122 = arith.constant 0 : i32
          %dma_start3A_123 = tpu.memref_slice %arg4[%dma_start3A_121, %dma_start3A_122] : memref<10000x128xf32, #tpu.memory_space<hbm>> -> memref<10000x128xf32, #tpu.memory_space<hbm>>
          tpu.enqueue_indirect_dma source(%dma_start3A_123 : memref<10000x128xf32, #tpu.memory_space<hbm>>) target(%arg10 : memref<128x128xf32, #tpu.memory_space<vmem>>) offsets(%dma_start3A_120 : memref<128xi32, #tpu.memory_space<vmem>>) semaphore(%arg12 : memref<!tpu.dma_semaphore, #tpu.memory_space<semaphore_mem>>)
        } else {
        }
      }
      %scan3A_80 = arith.constant 20 : i32
    }
    %scan3A_33 = arith.constant 2 : i32
    %barrier3A_34 = arith.constant 0 : index
    tpu.barrier barrier_id(%barrier3A_34)
    %mul3A_35 = arith.constant 632 : i32
    %mul3A_36 = arith.muli %arg1, %mul3A_35 : i32
    %add3A_37 = arith.constant 0 : i32
    %add3A_38 = arith.addi %mul3A_36, %add3A_37 : i32
    "tpu.region"() ({
      %run_scoped3A = tpu.sem_alloc : memref<!tpu.dma_semaphore, #tpu.memory_space<semaphore_mem>>
      %dma_start3A = arith.constant 0 : i32
      %dma_start3A_55 = tpu.memref_slice %arg5[%arg0, %add3A_38, %dma_start3A] : memref<2x10112x128xf32, #tpu.memory_space<hbm>> -> memref<1x128x128xf32, #tpu.memory_space<hbm>>
      %dma_start3A_56 = tpu.memref_squeeze %dma_start3A_55 : memref<1x128x128xf32, #tpu.memory_space<hbm>> -> memref<128x128xf32, #tpu.memory_space<hbm>>
      %dma_start3A_57 = arith.constant 0 : i32
      %dma_start3A_58 = tpu.memref_slice %arg6[%add3A_38, %dma_start3A_57] : memref<10112x128xf32, #tpu.memory_space<vmem_shared>> -> memref<128x128xf32, #tpu.memory_space<vmem_shared>>
      tpu.enqueue_dma source(%dma_start3A_58 : memref<128x128xf32, #tpu.memory_space<vmem_shared>>) target(%dma_start3A_56 : memref<128x128xf32, #tpu.memory_space<hbm>>) target_semaphore(%run_scoped3A : memref<!tpu.dma_semaphore, #tpu.memory_space<semaphore_mem>>)
      %dma_wait3A = arith.constant 0 : i32
      %dma_wait3A_59 = tpu.memref_slice %arg5[%arg0, %add3A_38, %dma_wait3A] : memref<2x10112x128xf32, #tpu.memory_space<hbm>> -> memref<1x128x128xf32, #tpu.memory_space<hbm>>
      %dma_wait3A_60 = tpu.memref_squeeze %dma_wait3A_59 : memref<1x128x128xf32, #tpu.memory_space<hbm>> -> memref<128x128xf32, #tpu.memory_space<hbm>>
      %dma_wait3A_61 = arith.constant 0 : i32
      %dma_wait3A_62 = tpu.memref_slice %arg6[%add3A_38, %dma_wait3A_61] : memref<10112x128xf32, #tpu.memory_space<vmem_shared>> -> memref<128x128xf32, #tpu.memory_space<vmem_shared>>
      tpu.wait_dma2 semaphore(%run_scoped3A : memref<!tpu.dma_semaphore, #tpu.memory_space<semaphore_mem>>) src(%dma_wait3A_62 : memref<128x128xf32, #tpu.memory_space<vmem_shared>>) dst(%dma_wait3A_60 : memref<128x128xf32, #tpu.memory_space<hbm>>)
      tpu.yield
    }) : () -> ()
    %mul3A_39 = arith.constant 632 : i32
    %mul3A_40 = arith.muli %arg1, %mul3A_39 : i32
    %add3A_41 = arith.constant 128 : i32
    %add3A_42 = arith.addi %mul3A_40, %add3A_41 : i32
    "tpu.region"() ({
      %run_scoped3A = tpu.sem_alloc : memref<!tpu.dma_semaphore, #tpu.memory_space<semaphore_mem>>
      %dma_start3A = arith.constant 0 : i32
      %dma_start3A_55 = tpu.memref_slice %arg5[%arg0, %add3A_42, %dma_start3A] : memref<2x10112x128xf32, #tpu.memory_space<hbm>> -> memref<1x128x128xf32, #tpu.memory_space<hbm>>
      %dma_start3A_56 = tpu.memref_squeeze %dma_start3A_55 : memref<1x128x128xf32, #tpu.memory_space<hbm>> -> memref<128x128xf32, #tpu.memory_space<hbm>>
      %dma_start3A_57 = arith.constant 0 : i32
      %dma_start3A_58 = tpu.memref_slice %arg6[%add3A_42, %dma_start3A_57] : memref<10112x128xf32, #tpu.memory_space<vmem_shared>> -> memref<128x128xf32, #tpu.memory_space<vmem_shared>>
      tpu.enqueue_dma source(%dma_start3A_58 : memref<128x128xf32, #tpu.memory_space<vmem_shared>>) target(%dma_start3A_56 : memref<128x128xf32, #tpu.memory_space<hbm>>) target_semaphore(%run_scoped3A : memref<!tpu.dma_semaphore, #tpu.memory_space<semaphore_mem>>)
      %dma_wait3A = arith.constant 0 : i32
      %dma_wait3A_59 = tpu.memref_slice %arg5[%arg0, %add3A_42, %dma_wait3A] : memref<2x10112x128xf32, #tpu.memory_space<hbm>> -> memref<1x128x128xf32, #tpu.memory_space<hbm>>
      %dma_wait3A_60 = tpu.memref_squeeze %dma_wait3A_59 : memref<1x128x128xf32, #tpu.memory_space<hbm>> -> memref<128x128xf32, #tpu.memory_space<hbm>>
      %dma_wait3A_61 = arith.constant 0 : i32
      %dma_wait3A_62 = tpu.memref_slice %arg6[%add3A_42, %dma_wait3A_61] : memref<10112x128xf32, #tpu.memory_space<vmem_shared>> -> memref<128x128xf32, #tpu.memory_space<vmem_shared>>
      tpu.wait_dma2 semaphore(%run_scoped3A : memref<!tpu.dma_semaphore, #tpu.memory_space<semaphore_mem>>) src(%dma_wait3A_62 : memref<128x128xf32, #tpu.memory_space<vmem_shared>>) dst(%dma_wait3A_60 : memref<128x128xf32, #tpu.memory_space<hbm>>)
      tpu.yield
    }) : () -> ()
    %mul3A_43 = arith.constant 632 : i32
    %mul3A_44 = arith.muli %arg1, %mul3A_43 : i32
    %add3A_45 = arith.constant 256 : i32
    %add3A_46 = arith.addi %mul3A_44, %add3A_45 : i32
    "tpu.region"() ({
      %run_scoped3A = tpu.sem_alloc : memref<!tpu.dma_semaphore, #tpu.memory_space<semaphore_mem>>
      %dma_start3A = arith.constant 0 : i32
      %dma_start3A_55 = tpu.memref_slice %arg5[%arg0, %add3A_46, %dma_start3A] : memref<2x10112x128xf32, #tpu.memory_space<hbm>> -> memref<1x128x128xf32, #tpu.memory_space<hbm>>
      %dma_start3A_56 = tpu.memref_squeeze %dma_start3A_55 : memref<1x128x128xf32, #tpu.memory_space<hbm>> -> memref<128x128xf32, #tpu.memory_space<hbm>>
      %dma_start3A_57 = arith.constant 0 : i32
      %dma_start3A_58 = tpu.memref_slice %arg6[%add3A_46, %dma_start3A_57] : memref<10112x128xf32, #tpu.memory_space<vmem_shared>> -> memref<128x128xf32, #tpu.memory_space<vmem_shared>>
      tpu.enqueue_dma source(%dma_start3A_58 : memref<128x128xf32, #tpu.memory_space<vmem_shared>>) target(%dma_start3A_56 : memref<128x128xf32, #tpu.memory_space<hbm>>) target_semaphore(%run_scoped3A : memref<!tpu.dma_semaphore, #tpu.memory_space<semaphore_mem>>)
      %dma_wait3A = arith.constant 0 : i32
      %dma_wait3A_59 = tpu.memref_slice %arg5[%arg0, %add3A_46, %dma_wait3A] : memref<2x10112x128xf32, #tpu.memory_space<hbm>> -> memref<1x128x128xf32, #tpu.memory_space<hbm>>
      %dma_wait3A_60 = tpu.memref_squeeze %dma_wait3A_59 : memref<1x128x128xf32, #tpu.memory_space<hbm>> -> memref<128x128xf32, #tpu.memory_space<hbm>>
      %dma_wait3A_61 = arith.constant 0 : i32
      %dma_wait3A_62 = tpu.memref_slice %arg6[%add3A_46, %dma_wait3A_61] : memref<10112x128xf32, #tpu.memory_space<vmem_shared>> -> memref<128x128xf32, #tpu.memory_space<vmem_shared>>
      tpu.wait_dma2 semaphore(%run_scoped3A : memref<!tpu.dma_semaphore, #tpu.memory_space<semaphore_mem>>) src(%dma_wait3A_62 : memref<128x128xf32, #tpu.memory_space<vmem_shared>>) dst(%dma_wait3A_60 : memref<128x128xf32, #tpu.memory_space<hbm>>)
      tpu.yield
    }) : () -> ()
    %mul3A_47 = arith.constant 632 : i32
    %mul3A_48 = arith.muli %arg1, %mul3A_47 : i32
    %add3A_49 = arith.constant 384 : i32
    %add3A_50 = arith.addi %mul3A_48, %add3A_49 : i32
    "tpu.region"() ({
      %run_scoped3A = tpu.sem_alloc : memref<!tpu.dma_semaphore, #tpu.memory_space<semaphore_mem>>
      %dma_start3A = arith.constant 0 : i32
      %dma_start3A_55 = tpu.memref_slice %arg5[%arg0, %add3A_50, %dma_start3A] : memref<2x10112x128xf32, #tpu.memory_space<hbm>> -> memref<1x128x128xf32, #tpu.memory_space<hbm>>
      %dma_start3A_56 = tpu.memref_squeeze %dma_start3A_55 : memref<1x128x128xf32, #tpu.memory_space<hbm>> -> memref<128x128xf32, #tpu.memory_space<hbm>>
      %dma_start3A_57 = arith.constant 0 : i32
      %dma_start3A_58 = tpu.memref_slice %arg6[%add3A_50, %dma_start3A_57] : memref<10112x128xf32, #tpu.memory_space<vmem_shared>> -> memref<128x128xf32, #tpu.memory_space<vmem_shared>>
      tpu.enqueue_dma source(%dma_start3A_58 : memref<128x128xf32, #tpu.memory_space<vmem_shared>>) target(%dma_start3A_56 : memref<128x128xf32, #tpu.memory_space<hbm>>) target_semaphore(%run_scoped3A : memref<!tpu.dma_semaphore, #tpu.memory_space<semaphore_mem>>)
      %dma_wait3A = arith.constant 0 : i32
      %dma_wait3A_59 = tpu.memref_slice %arg5[%arg0, %add3A_50, %dma_wait3A] : memref<2x10112x128xf32, #tpu.memory_space<hbm>> -> memref<1x128x128xf32, #tpu.memory_space<hbm>>
      %dma_wait3A_60 = tpu.memref_squeeze %dma_wait3A_59 : memref<1x128x128xf32, #tpu.memory_space<hbm>> -> memref<128x128xf32, #tpu.memory_space<hbm>>
      %dma_wait3A_61 = arith.constant 0 : i32
      %dma_wait3A_62 = tpu.memref_slice %arg6[%add3A_50, %dma_wait3A_61] : memref<10112x128xf32, #tpu.memory_space<vmem_shared>> -> memref<128x128xf32, #tpu.memory_space<vmem_shared>>
      tpu.wait_dma2 semaphore(%run_scoped3A : memref<!tpu.dma_semaphore, #tpu.memory_space<semaphore_mem>>) src(%dma_wait3A_62 : memref<128x128xf32, #tpu.memory_space<vmem_shared>>) dst(%dma_wait3A_60 : memref<128x128xf32, #tpu.memory_space<hbm>>)
      tpu.yield
    }) : () -> ()
    %mul3A_51 = arith.constant 632 : i32
    %mul3A_52 = arith.muli %arg1, %mul3A_51 : i32
    %add3A_53 = arith.constant 512 : i32
    %add3A_54 = arith.addi %mul3A_52, %add3A_53 : i32
    "tpu.region"() ({
      %run_scoped3A = tpu.sem_alloc : memref<!tpu.dma_semaphore, #tpu.memory_space<semaphore_mem>>
      %dma_start3A = arith.constant 0 : i32
      %dma_start3A_55 = tpu.memref_slice %arg5[%arg0, %add3A_54, %dma_start3A] : memref<2x10112x128xf32, #tpu.memory_space<hbm>> -> memref<1x120x128xf32, #tpu.memory_space<hbm>>
      %dma_start3A_56 = tpu.memref_squeeze %dma_start3A_55 : memref<1x120x128xf32, #tpu.memory_space<hbm>> -> memref<120x128xf32, #tpu.memory_space<hbm>>
      %dma_start3A_57 = arith.constant 0 : i32
      %dma_start3A_58 = tpu.memref_slice %arg6[%add3A_54, %dma_start3A_57] : memref<10112x128xf32, #tpu.memory_space<vmem_shared>> -> memref<120x128xf32, #tpu.memory_space<vmem_shared>>
      tpu.enqueue_dma source(%dma_start3A_58 : memref<120x128xf32, #tpu.memory_space<vmem_shared>>) target(%dma_start3A_56 : memref<120x128xf32, #tpu.memory_space<hbm>>) target_semaphore(%run_scoped3A : memref<!tpu.dma_semaphore, #tpu.memory_space<semaphore_mem>>)
      %dma_wait3A = arith.constant 0 : i32
      %dma_wait3A_59 = tpu.memref_slice %arg5[%arg0, %add3A_54, %dma_wait3A] : memref<2x10112x128xf32, #tpu.memory_space<hbm>> -> memref<1x120x128xf32, #tpu.memory_space<hbm>>
      %dma_wait3A_60 = tpu.memref_squeeze %dma_wait3A_59 : memref<1x120x128xf32, #tpu.memory_space<hbm>> -> memref<120x128xf32, #tpu.memory_space<hbm>>
      %dma_wait3A_61 = arith.constant 0 : i32
      %dma_wait3A_62 = tpu.memref_slice %arg6[%add3A_54, %dma_wait3A_61] : memref<10112x128xf32, #tpu.memory_space<vmem_shared>> -> memref<120x128xf32, #tpu.memory_space<vmem_shared>>
      tpu.wait_dma2 semaphore(%run_scoped3A : memref<!tpu.dma_semaphore, #tpu.memory_space<semaphore_mem>>) src(%dma_wait3A_62 : memref<120x128xf32, #tpu.memory_space<vmem_shared>>) dst(%dma_wait3A_60 : memref<120x128xf32, #tpu.memory_space<hbm>>)
      tpu.yield
    }) : () -> ()
    return
  }
}

#map = affine_map<(d0, d1) -> (0, 0)>
#map1 = affine_map<(d0, d1) -> (0, 0, 0)>
module attributes {stable_mosaic.version = 14 : i64} {
  func.func @_agg_body(%arg0: i32, %arg1: i32, %arg2: memref<2560x128xi32, #tpu.memory_space<hbm>>, %arg3: memref<2560x128xi32, #tpu.memory_space<hbm>>, %arg4: memref<10000x128xf32, #tpu.memory_space<hbm>>, %arg5: memref<2x10112x128xf32, #tpu.memory_space<hbm>>, %arg6: memref<10112x128xf32, #tpu.memory_space<vmem_shared>>, %arg7: memref<40x128xi32, #tpu.memory_space<vmem>>, %arg8: memref<40x128xi32, #tpu.memory_space<vmem>>, %arg9: memref<128x128xf32, #tpu.memory_space<vmem>>, %arg10: memref<128x128xf32, #tpu.memory_space<vmem>>, %arg11: memref<!tpu.dma_semaphore, #tpu.memory_space<semaphore_mem>>, %arg12: memref<!tpu.dma_semaphore, #tpu.memory_space<semaphore_mem>>) attributes {dimension_semantics = [#tpu.dimension_semantics<core_parallel>, #tpu.dimension_semantics<subcore_parallel>], iteration_bounds = array<i64: 2, 16>, scalar_prefetch = 0 : i64, scratch_operands = 7 : i64, tpu.core_type = #tpu.core_type<sc_vector_subcore>, window_params = [{transform_indices = #map}, {transform_indices = #map}, {transform_indices = #map}, {transform_indices = #map1}]} {
    %scan3A = arith.constant 0 : i32
    %scan3A_0 = arith.constant 128 : i32
    %scan3A_1 = arith.addi %scan3A, %scan3A_0 : i32
    %scan3A_2 = arith.constant 1 : i32
    scf.for %scan3A_55 = %scan3A to %scan3A_1 step %scan3A_2  : i32 {
      %mul3A_56 = arith.constant 1 : i32
      %mul3A_57 = arith.muli %scan3A_55, %mul3A_56 : i32
      %add3A_58 = arith.constant 0 : i32
      %add3A_59 = arith.addi %add3A_58, %mul3A_57 : i32
      %scan3A_60 = arith.constant 0 : i32
      %scan3A_61 = arith.constant 8 : i32
      %scan3A_62 = arith.addi %scan3A_60, %scan3A_61 : i32
      %scan3A_63 = arith.constant 1 : i32
      scf.for %scan3A_65 = %scan3A_60 to %scan3A_62 step %scan3A_63  : i32 {
        %mul3A_66 = arith.constant 1 : i32
        %mul3A_67 = arith.muli %scan3A_65, %mul3A_66 : i32
        %add3A_68 = arith.constant 0 : i32
        %add3A_69 = arith.addi %add3A_68, %mul3A_67 : i32
        %broadcast_in_dim3A = arith.constant 0.000000e+00 : f32
        %broadcast_in_dim3A_70 = vector.broadcast %broadcast_in_dim3A : f32 to vector<16xf32>
        %mul3A_71 = arith.constant 16 : i32
        %mul3A_72 = arith.muli %add3A_69, %mul3A_71 : i32
        %swap3A = arith.index_cast %add3A_59 : i32 to index
        %swap3A_73 = arith.index_cast %mul3A_72 : i32 to index
        %swap3A_74 = tpu.vector_load %arg9[%swap3A, %swap3A_73] {strides = array<i32>} : memref<128x128xf32, #tpu.memory_space<vmem>>, vector<1x16xf32>,
        %swap3A_75 = vector.shape_cast %swap3A_74 : vector<1x16xf32> to vector<16xf32>
        %swap3A_76 = vector.shape_cast %broadcast_in_dim3A_70 : vector<16xf32> to vector<1x16xf32>
        tpu.vector_store %arg9[%swap3A, %swap3A_73], %swap3A_76 {strides = array<i32>} : memref<128x128xf32, #tpu.memory_space<vmem>>, vector<1x16xf32>,
      }
      %scan3A_64 = arith.constant 8 : i32
    }
    %scan3A_3 = arith.constant 128 : i32
    %mul3A = arith.constant 632 : i32
    %mul3A_4 = arith.muli %arg1, %mul3A : i32
    %add3A = arith.constant 0 : i32
    %add3A_5 = arith.addi %mul3A_4, %add3A : i32
    "tpu.region"() ({
      %run_scoped3A = tpu.sem_alloc : memref<!tpu.dma_semaphore, #tpu.memory_space<semaphore_mem>>
      %dma_start3A = arith.constant 0 : i32
      %dma_start3A_55 = arith.constant 0 : i32
      %dma_start3A_56 = tpu.memref_slice %arg9[%dma_start3A, %dma_start3A_55] : memref<128x128xf32, #tpu.memory_space<vmem>> -> memref<128x128xf32, #tpu.memory_space<vmem>>
      %dma_start3A_57 = arith.constant 0 : i32
      %dma_start3A_58 = tpu.memref_slice %arg6[%add3A_5, %dma_start3A_57] : memref<10112x128xf32, #tpu.memory_space<vmem_shared>> -> memref<128x128xf32, #tpu.memory_space<vmem_shared>>
      %dma_start3A_59 = arith.constant 0 : i32
      %dma_start3A_60 = tpu.memref_slice %arg6[%add3A_5, %dma_start3A_59] : memref<10112x128xf32, #tpu.memory_space<vmem_shared>> -> memref<128x128xf32, #tpu.memory_space<vmem_shared>>
      %dma_start3A_61 = arith.constant 0 : i32
      %dma_start3A_62 = arith.constant 0 : i32
      %dma_start3A_63 = tpu.memref_slice %arg9[%dma_start3A_61, %dma_start3A_62] : memref<128x128xf32, #tpu.memory_space<vmem>> -> memref<128x128xf32, #tpu.memory_space<vmem>>
      tpu.enqueue_dma source(%dma_start3A_63 : memref<128x128xf32, #tpu.memory_space<vmem>>) target(%dma_start3A_60 : memref<128x128xf32, #tpu.memory_space<vmem_shared>>) target_semaphore(%run_scoped3A : memref<!tpu.dma_semaphore, #tpu.memory_space<semaphore_mem>>)
      %dma_wait3A = arith.constant 0 : i32
      %dma_wait3A_64 = arith.constant 0 : i32
      %dma_wait3A_65 = tpu.memref_slice %arg9[%dma_wait3A, %dma_wait3A_64] : memref<128x128xf32, #tpu.memory_space<vmem>> -> memref<128x128xf32, #tpu.memory_space<vmem>>
      %dma_wait3A_66 = arith.constant 0 : i32
      %dma_wait3A_67 = tpu.memref_slice %arg6[%add3A_5, %dma_wait3A_66] : memref<10112x128xf32, #tpu.memory_space<vmem_shared>> -> memref<128x128xf32, #tpu.memory_space<vmem_shared>>
      %dma_wait3A_68 = arith.constant 0 : i32
      %dma_wait3A_69 = tpu.memref_slice %arg6[%add3A_5, %dma_wait3A_68] : memref<10112x128xf32, #tpu.memory_space<vmem_shared>> -> memref<128x128xf32, #tpu.memory_space<vmem_shared>>
      %dma_wait3A_70 = arith.constant 0 : i32
      %dma_wait3A_71 = arith.constant 0 : i32
      %dma_wait3A_72 = tpu.memref_slice %arg9[%dma_wait3A_70, %dma_wait3A_71] : memref<128x128xf32, #tpu.memory_space<vmem>> -> memref<128x128xf32, #tpu.memory_space<vmem>>
      tpu.wait_dma2 semaphore(%run_scoped3A : memref<!tpu.dma_semaphore, #tpu.memory_space<semaphore_mem>>) src(%dma_wait3A_72 : memref<128x128xf32, #tpu.memory_space<vmem>>) dst(%dma_wait3A_69 : memref<128x128xf32, #tpu.memory_space<vmem_shared>>)
      tpu.yield
    }) : () -> ()
    %mul3A_6 = arith.constant 632 : i32
    %mul3A_7 = arith.muli %arg1, %mul3A_6 : i32
    %add3A_8 = arith.constant 128 : i32
    %add3A_9 = arith.addi %mul3A_7, %add3A_8 : i32
    "tpu.region"() ({
      %run_scoped3A = tpu.sem_alloc : memref<!tpu.dma_semaphore, #tpu.memory_space<semaphore_mem>>
      %dma_start3A = arith.constant 0 : i32
      %dma_start3A_55 = arith.constant 0 : i32
      %dma_start3A_56 = tpu.memref_slice %arg9[%dma_start3A, %dma_start3A_55] : memref<128x128xf32, #tpu.memory_space<vmem>> -> memref<128x128xf32, #tpu.memory_space<vmem>>
      %dma_start3A_57 = arith.constant 0 : i32
      %dma_start3A_58 = tpu.memref_slice %arg6[%add3A_9, %dma_start3A_57] : memref<10112x128xf32, #tpu.memory_space<vmem_shared>> -> memref<128x128xf32, #tpu.memory_space<vmem_shared>>
      %dma_start3A_59 = arith.constant 0 : i32
      %dma_start3A_60 = tpu.memref_slice %arg6[%add3A_9, %dma_start3A_59] : memref<10112x128xf32, #tpu.memory_space<vmem_shared>> -> memref<128x128xf32, #tpu.memory_space<vmem_shared>>
      %dma_start3A_61 = arith.constant 0 : i32
      %dma_start3A_62 = arith.constant 0 : i32
      %dma_start3A_63 = tpu.memref_slice %arg9[%dma_start3A_61, %dma_start3A_62] : memref<128x128xf32, #tpu.memory_space<vmem>> -> memref<128x128xf32, #tpu.memory_space<vmem>>
      tpu.enqueue_dma source(%dma_start3A_63 : memref<128x128xf32, #tpu.memory_space<vmem>>) target(%dma_start3A_60 : memref<128x128xf32, #tpu.memory_space<vmem_shared>>) target_semaphore(%run_scoped3A : memref<!tpu.dma_semaphore, #tpu.memory_space<semaphore_mem>>)
      %dma_wait3A = arith.constant 0 : i32
      %dma_wait3A_64 = arith.constant 0 : i32
      %dma_wait3A_65 = tpu.memref_slice %arg9[%dma_wait3A, %dma_wait3A_64] : memref<128x128xf32, #tpu.memory_space<vmem>> -> memref<128x128xf32, #tpu.memory_space<vmem>>
      %dma_wait3A_66 = arith.constant 0 : i32
      %dma_wait3A_67 = tpu.memref_slice %arg6[%add3A_9, %dma_wait3A_66] : memref<10112x128xf32, #tpu.memory_space<vmem_shared>> -> memref<128x128xf32, #tpu.memory_space<vmem_shared>>
      %dma_wait3A_68 = arith.constant 0 : i32
      %dma_wait3A_69 = tpu.memref_slice %arg6[%add3A_9, %dma_wait3A_68] : memref<10112x128xf32, #tpu.memory_space<vmem_shared>> -> memref<128x128xf32, #tpu.memory_space<vmem_shared>>
      %dma_wait3A_70 = arith.constant 0 : i32
      %dma_wait3A_71 = arith.constant 0 : i32
      %dma_wait3A_72 = tpu.memref_slice %arg9[%dma_wait3A_70, %dma_wait3A_71] : memref<128x128xf32, #tpu.memory_space<vmem>> -> memref<128x128xf32, #tpu.memory_space<vmem>>
      tpu.wait_dma2 semaphore(%run_scoped3A : memref<!tpu.dma_semaphore, #tpu.memory_space<semaphore_mem>>) src(%dma_wait3A_72 : memref<128x128xf32, #tpu.memory_space<vmem>>) dst(%dma_wait3A_69 : memref<128x128xf32, #tpu.memory_space<vmem_shared>>)
      tpu.yield
    }) : () -> ()
    %mul3A_10 = arith.constant 632 : i32
    %mul3A_11 = arith.muli %arg1, %mul3A_10 : i32
    %add3A_12 = arith.constant 256 : i32
    %add3A_13 = arith.addi %mul3A_11, %add3A_12 : i32
    "tpu.region"() ({
      %run_scoped3A = tpu.sem_alloc : memref<!tpu.dma_semaphore, #tpu.memory_space<semaphore_mem>>
      %dma_start3A = arith.constant 0 : i32
      %dma_start3A_55 = arith.constant 0 : i32
      %dma_start3A_56 = tpu.memref_slice %arg9[%dma_start3A, %dma_start3A_55] : memref<128x128xf32, #tpu.memory_space<vmem>> -> memref<128x128xf32, #tpu.memory_space<vmem>>
      %dma_start3A_57 = arith.constant 0 : i32
      %dma_start3A_58 = tpu.memref_slice %arg6[%add3A_13, %dma_start3A_57] : memref<10112x128xf32, #tpu.memory_space<vmem_shared>> -> memref<128x128xf32, #tpu.memory_space<vmem_shared>>
      %dma_start3A_59 = arith.constant 0 : i32
      %dma_start3A_60 = tpu.memref_slice %arg6[%add3A_13, %dma_start3A_59] : memref<10112x128xf32, #tpu.memory_space<vmem_shared>> -> memref<128x128xf32, #tpu.memory_space<vmem_shared>>
      %dma_start3A_61 = arith.constant 0 : i32
      %dma_start3A_62 = arith.constant 0 : i32
      %dma_start3A_63 = tpu.memref_slice %arg9[%dma_start3A_61, %dma_start3A_62] : memref<128x128xf32, #tpu.memory_space<vmem>> -> memref<128x128xf32, #tpu.memory_space<vmem>>
      tpu.enqueue_dma source(%dma_start3A_63 : memref<128x128xf32, #tpu.memory_space<vmem>>) target(%dma_start3A_60 : memref<128x128xf32, #tpu.memory_space<vmem_shared>>) target_semaphore(%run_scoped3A : memref<!tpu.dma_semaphore, #tpu.memory_space<semaphore_mem>>)
      %dma_wait3A = arith.constant 0 : i32
      %dma_wait3A_64 = arith.constant 0 : i32
      %dma_wait3A_65 = tpu.memref_slice %arg9[%dma_wait3A, %dma_wait3A_64] : memref<128x128xf32, #tpu.memory_space<vmem>> -> memref<128x128xf32, #tpu.memory_space<vmem>>
      %dma_wait3A_66 = arith.constant 0 : i32
      %dma_wait3A_67 = tpu.memref_slice %arg6[%add3A_13, %dma_wait3A_66] : memref<10112x128xf32, #tpu.memory_space<vmem_shared>> -> memref<128x128xf32, #tpu.memory_space<vmem_shared>>
      %dma_wait3A_68 = arith.constant 0 : i32
      %dma_wait3A_69 = tpu.memref_slice %arg6[%add3A_13, %dma_wait3A_68] : memref<10112x128xf32, #tpu.memory_space<vmem_shared>> -> memref<128x128xf32, #tpu.memory_space<vmem_shared>>
      %dma_wait3A_70 = arith.constant 0 : i32
      %dma_wait3A_71 = arith.constant 0 : i32
      %dma_wait3A_72 = tpu.memref_slice %arg9[%dma_wait3A_70, %dma_wait3A_71] : memref<128x128xf32, #tpu.memory_space<vmem>> -> memref<128x128xf32, #tpu.memory_space<vmem>>
      tpu.wait_dma2 semaphore(%run_scoped3A : memref<!tpu.dma_semaphore, #tpu.memory_space<semaphore_mem>>) src(%dma_wait3A_72 : memref<128x128xf32, #tpu.memory_space<vmem>>) dst(%dma_wait3A_69 : memref<128x128xf32, #tpu.memory_space<vmem_shared>>)
      tpu.yield
    }) : () -> ()
    %mul3A_14 = arith.constant 632 : i32
    %mul3A_15 = arith.muli %arg1, %mul3A_14 : i32
    %add3A_16 = arith.constant 384 : i32
    %add3A_17 = arith.addi %mul3A_15, %add3A_16 : i32
    "tpu.region"() ({
      %run_scoped3A = tpu.sem_alloc : memref<!tpu.dma_semaphore, #tpu.memory_space<semaphore_mem>>
      %dma_start3A = arith.constant 0 : i32
      %dma_start3A_55 = arith.constant 0 : i32
      %dma_start3A_56 = tpu.memref_slice %arg9[%dma_start3A, %dma_start3A_55] : memref<128x128xf32, #tpu.memory_space<vmem>> -> memref<128x128xf32, #tpu.memory_space<vmem>>
      %dma_start3A_57 = arith.constant 0 : i32
      %dma_start3A_58 = tpu.memref_slice %arg6[%add3A_17, %dma_start3A_57] : memref<10112x128xf32, #tpu.memory_space<vmem_shared>> -> memref<128x128xf32, #tpu.memory_space<vmem_shared>>
      %dma_start3A_59 = arith.constant 0 : i32
      %dma_start3A_60 = tpu.memref_slice %arg6[%add3A_17, %dma_start3A_59] : memref<10112x128xf32, #tpu.memory_space<vmem_shared>> -> memref<128x128xf32, #tpu.memory_space<vmem_shared>>
      %dma_start3A_61 = arith.constant 0 : i32
      %dma_start3A_62 = arith.constant 0 : i32
      %dma_start3A_63 = tpu.memref_slice %arg9[%dma_start3A_61, %dma_start3A_62] : memref<128x128xf32, #tpu.memory_space<vmem>> -> memref<128x128xf32, #tpu.memory_space<vmem>>
      tpu.enqueue_dma source(%dma_start3A_63 : memref<128x128xf32, #tpu.memory_space<vmem>>) target(%dma_start3A_60 : memref<128x128xf32, #tpu.memory_space<vmem_shared>>) target_semaphore(%run_scoped3A : memref<!tpu.dma_semaphore, #tpu.memory_space<semaphore_mem>>)
      %dma_wait3A = arith.constant 0 : i32
      %dma_wait3A_64 = arith.constant 0 : i32
      %dma_wait3A_65 = tpu.memref_slice %arg9[%dma_wait3A, %dma_wait3A_64] : memref<128x128xf32, #tpu.memory_space<vmem>> -> memref<128x128xf32, #tpu.memory_space<vmem>>
      %dma_wait3A_66 = arith.constant 0 : i32
      %dma_wait3A_67 = tpu.memref_slice %arg6[%add3A_17, %dma_wait3A_66] : memref<10112x128xf32, #tpu.memory_space<vmem_shared>> -> memref<128x128xf32, #tpu.memory_space<vmem_shared>>
      %dma_wait3A_68 = arith.constant 0 : i32
      %dma_wait3A_69 = tpu.memref_slice %arg6[%add3A_17, %dma_wait3A_68] : memref<10112x128xf32, #tpu.memory_space<vmem_shared>> -> memref<128x128xf32, #tpu.memory_space<vmem_shared>>
      %dma_wait3A_70 = arith.constant 0 : i32
      %dma_wait3A_71 = arith.constant 0 : i32
      %dma_wait3A_72 = tpu.memref_slice %arg9[%dma_wait3A_70, %dma_wait3A_71] : memref<128x128xf32, #tpu.memory_space<vmem>> -> memref<128x128xf32, #tpu.memory_space<vmem>>
      tpu.wait_dma2 semaphore(%run_scoped3A : memref<!tpu.dma_semaphore, #tpu.memory_space<semaphore_mem>>) src(%dma_wait3A_72 : memref<128x128xf32, #tpu.memory_space<vmem>>) dst(%dma_wait3A_69 : memref<128x128xf32, #tpu.memory_space<vmem_shared>>)
      tpu.yield
    }) : () -> ()
    %mul3A_18 = arith.constant 632 : i32
    %mul3A_19 = arith.muli %arg1, %mul3A_18 : i32
    %add3A_20 = arith.constant 512 : i32
    %add3A_21 = arith.addi %mul3A_19, %add3A_20 : i32
    "tpu.region"() ({
      %run_scoped3A = tpu.sem_alloc : memref<!tpu.dma_semaphore, #tpu.memory_space<semaphore_mem>>
      %dma_start3A = arith.constant 0 : i32
      %dma_start3A_55 = arith.constant 0 : i32
      %dma_start3A_56 = tpu.memref_slice %arg9[%dma_start3A, %dma_start3A_55] : memref<128x128xf32, #tpu.memory_space<vmem>> -> memref<120x128xf32, #tpu.memory_space<vmem>>
      %dma_start3A_57 = arith.constant 0 : i32
      %dma_start3A_58 = tpu.memref_slice %arg6[%add3A_21, %dma_start3A_57] : memref<10112x128xf32, #tpu.memory_space<vmem_shared>> -> memref<120x128xf32, #tpu.memory_space<vmem_shared>>
      %dma_start3A_59 = arith.constant 0 : i32
      %dma_start3A_60 = tpu.memref_slice %arg6[%add3A_21, %dma_start3A_59] : memref<10112x128xf32, #tpu.memory_space<vmem_shared>> -> memref<120x128xf32, #tpu.memory_space<vmem_shared>>
      %dma_start3A_61 = arith.constant 0 : i32
      %dma_start3A_62 = arith.constant 0 : i32
      %dma_start3A_63 = tpu.memref_slice %arg9[%dma_start3A_61, %dma_start3A_62] : memref<128x128xf32, #tpu.memory_space<vmem>> -> memref<120x128xf32, #tpu.memory_space<vmem>>
      tpu.enqueue_dma source(%dma_start3A_63 : memref<120x128xf32, #tpu.memory_space<vmem>>) target(%dma_start3A_60 : memref<120x128xf32, #tpu.memory_space<vmem_shared>>) target_semaphore(%run_scoped3A : memref<!tpu.dma_semaphore, #tpu.memory_space<semaphore_mem>>)
      %dma_wait3A = arith.constant 0 : i32
      %dma_wait3A_64 = arith.constant 0 : i32
      %dma_wait3A_65 = tpu.memref_slice %arg9[%dma_wait3A, %dma_wait3A_64] : memref<128x128xf32, #tpu.memory_space<vmem>> -> memref<120x128xf32, #tpu.memory_space<vmem>>
      %dma_wait3A_66 = arith.constant 0 : i32
      %dma_wait3A_67 = tpu.memref_slice %arg6[%add3A_21, %dma_wait3A_66] : memref<10112x128xf32, #tpu.memory_space<vmem_shared>> -> memref<120x128xf32, #tpu.memory_space<vmem_shared>>
      %dma_wait3A_68 = arith.constant 0 : i32
      %dma_wait3A_69 = tpu.memref_slice %arg6[%add3A_21, %dma_wait3A_68] : memref<10112x128xf32, #tpu.memory_space<vmem_shared>> -> memref<120x128xf32, #tpu.memory_space<vmem_shared>>
      %dma_wait3A_70 = arith.constant 0 : i32
      %dma_wait3A_71 = arith.constant 0 : i32
      %dma_wait3A_72 = tpu.memref_slice %arg9[%dma_wait3A_70, %dma_wait3A_71] : memref<128x128xf32, #tpu.memory_space<vmem>> -> memref<120x128xf32, #tpu.memory_space<vmem>>
      tpu.wait_dma2 semaphore(%run_scoped3A : memref<!tpu.dma_semaphore, #tpu.memory_space<semaphore_mem>>) src(%dma_wait3A_72 : memref<120x128xf32, #tpu.memory_space<vmem>>) dst(%dma_wait3A_69 : memref<120x128xf32, #tpu.memory_space<vmem_shared>>)
      tpu.yield
    }) : () -> ()
    %barrier3A = arith.constant 0 : index
    tpu.barrier barrier_id(%barrier3A)
    %eq3A = arith.constant 0 : i32
    %eq3A_22 = arith.cmpi eq, %arg0, %eq3A : i32
    %mul3A_23 = arith.constant 80 : i32
    %mul3A_24 = arith.muli %arg1, %mul3A_23 : i32
    %mul3A_25 = arith.constant 80 : i32
    %mul3A_26 = arith.muli %arg1, %mul3A_25 : i32
    %add3A_27 = arith.constant 1280 : i32
    %add3A_28 = arith.addi %add3A_27, %mul3A_26 : i32
    %select_n3A = arith.select %eq3A_22, %mul3A_24, %add3A_28 : i32
    %scan3A_29 = arith.constant 0 : i32
    %scan3A_30 = arith.constant 2 : i32
    %scan3A_31 = arith.addi %scan3A_29, %scan3A_30 : i32
    %scan3A_32 = arith.constant 1 : i32
    scf.for %scan3A_55 = %scan3A_29 to %scan3A_31 step %scan3A_32  : i32 {
      %mul3A_56 = arith.constant 1 : i32
      %mul3A_57 = arith.muli %scan3A_55, %mul3A_56 : i32
      %add3A_58 = arith.constant 0 : i32
      %add3A_59 = arith.addi %add3A_58, %mul3A_57 : i32
      %mul3A_60 = arith.constant 40 : i32
      %mul3A_61 = arith.muli %add3A_59, %mul3A_60 : i32
      %add3A_62 = arith.addi %select_n3A, %mul3A_61 : i32
      "tpu.region"() ({
        %run_scoped3A = tpu.sem_alloc : memref<!tpu.dma_semaphore, #tpu.memory_space<semaphore_mem>>
        %dma_start3A_81 = arith.constant 0 : i32
        %dma_start3A_82 = tpu.memref_slice %arg2[%add3A_62, %dma_start3A_81] : memref<2560x128xi32, #tpu.memory_space<hbm>> -> memref<40x128xi32, #tpu.memory_space<hbm>>
        %dma_start3A_83 = arith.constant 0 : i32
        %dma_start3A_84 = tpu.memref_slice %arg2[%add3A_62, %dma_start3A_83] : memref<2560x128xi32, #tpu.memory_space<hbm>> -> memref<40x128xi32, #tpu.memory_space<hbm>>
        tpu.enqueue_dma source(%dma_start3A_84 : memref<40x128xi32, #tpu.memory_space<hbm>>) target(%arg7 : memref<40x128xi32, #tpu.memory_space<vmem>>) target_semaphore(%run_scoped3A : memref<!tpu.dma_semaphore, #tpu.memory_space<semaphore_mem>>)
        %dma_wait3A = arith.constant 0 : i32
        %dma_wait3A_85 = tpu.memref_slice %arg2[%add3A_62, %dma_wait3A] : memref<2560x128xi32, #tpu.memory_space<hbm>> -> memref<40x128xi32, #tpu.memory_space<hbm>>
        %dma_wait3A_86 = arith.constant 0 : i32
        %dma_wait3A_87 = tpu.memref_slice %arg2[%add3A_62, %dma_wait3A_86] : memref<2560x128xi32, #tpu.memory_space<hbm>> -> memref<40x128xi32, #tpu.memory_space<hbm>>
        tpu.wait_dma2 semaphore(%run_scoped3A : memref<!tpu.dma_semaphore, #tpu.memory_space<semaphore_mem>>) src(%dma_wait3A_87 : memref<40x128xi32, #tpu.memory_space<hbm>>) dst(%arg7 : memref<40x128xi32, #tpu.memory_space<vmem>>)
        tpu.yield
      }) : () -> ()
      "tpu.region"() ({
        %run_scoped3A = tpu.sem_alloc : memref<!tpu.dma_semaphore, #tpu.memory_space<semaphore_mem>>
        %dma_start3A_81 = arith.constant 0 : i32
        %dma_start3A_82 = tpu.memref_slice %arg3[%add3A_62, %dma_start3A_81] : memref<2560x128xi32, #tpu.memory_space<hbm>> -> memref<40x128xi32, #tpu.memory_space<hbm>>
        %dma_start3A_83 = arith.constant 0 : i32
        %dma_start3A_84 = tpu.memref_slice %arg3[%add3A_62, %dma_start3A_83] : memref<2560x128xi32, #tpu.memory_space<hbm>> -> memref<40x128xi32, #tpu.memory_space<hbm>>
        tpu.enqueue_dma source(%dma_start3A_84 : memref<40x128xi32, #tpu.memory_space<hbm>>) target(%arg8 : memref<40x128xi32, #tpu.memory_space<vmem>>) target_semaphore(%run_scoped3A : memref<!tpu.dma_semaphore, #tpu.memory_space<semaphore_mem>>)
        %dma_wait3A = arith.constant 0 : i32
        %dma_wait3A_85 = tpu.memref_slice %arg3[%add3A_62, %dma_wait3A] : memref<2560x128xi32, #tpu.memory_space<hbm>> -> memref<40x128xi32, #tpu.memory_space<hbm>>
        %dma_wait3A_86 = arith.constant 0 : i32
        %dma_wait3A_87 = tpu.memref_slice %arg3[%add3A_62, %dma_wait3A_86] : memref<2560x128xi32, #tpu.memory_space<hbm>> -> memref<40x128xi32, #tpu.memory_space<hbm>>
        tpu.wait_dma2 semaphore(%run_scoped3A : memref<!tpu.dma_semaphore, #tpu.memory_space<semaphore_mem>>) src(%dma_wait3A_87 : memref<40x128xi32, #tpu.memory_space<hbm>>) dst(%arg8 : memref<40x128xi32, #tpu.memory_space<vmem>>)
        tpu.yield
      }) : () -> ()
      %dma_start3A = arith.constant 0 : i32
      %dma_start3A_63 = arith.constant 0 : i32
      %dma_start3A_64 = tpu.memref_slice %arg7[%dma_start3A, %dma_start3A_63] : memref<40x128xi32, #tpu.memory_space<vmem>> -> memref<1x128xi32, #tpu.memory_space<vmem>>
      %dma_start3A_65 = tpu.memref_squeeze %dma_start3A_64 : memref<1x128xi32, #tpu.memory_space<vmem>> -> memref<128xi32, #tpu.memory_space<vmem>>
      %dma_start3A_66 = arith.constant 0 : i32
      %dma_start3A_67 = arith.constant 0 : i32
      %dma_start3A_68 = tpu.memref_slice %arg4[%dma_start3A_66, %dma_start3A_67] : memref<10000x128xf32, #tpu.memory_space<hbm>> -> memref<10000x128xf32, #tpu.memory_space<hbm>>
      tpu.enqueue_indirect_dma source(%dma_start3A_68 : memref<10000x128xf32, #tpu.memory_space<hbm>>) target(%arg9 : memref<128x128xf32, #tpu.memory_space<vmem>>) offsets(%dma_start3A_65 : memref<128xi32, #tpu.memory_space<vmem>>) semaphore(%arg11 : memref<!tpu.dma_semaphore, #tpu.memory_space<semaphore_mem>>)
      %dma_start3A_69 = arith.constant 1 : i32
      %dma_start3A_70 = arith.constant 0 : i32
      %dma_start3A_71 = tpu.memref_slice %arg7[%dma_start3A_69, %dma_start3A_70] : memref<40x128xi32, #tpu.memory_space<vmem>> -> memref<1x128xi32, #tpu.memory_space<vmem>>
      %dma_start3A_72 = tpu.memref_squeeze %dma_start3A_71 : memref<1x128xi32, #tpu.memory_space<vmem>> -> memref<128xi32, #tpu.memory_space<vmem>>
      %dma_start3A_73 = arith.constant 0 : i32
      %dma_start3A_74 = arith.constant 0 : i32
      %dma_start3A_75 = tpu.memref_slice %arg4[%dma_start3A_73, %dma_start3A_74] : memref<10000x128xf32, #tpu.memory_space<hbm>> -> memref<10000x128xf32, #tpu.memory_space<hbm>>
      tpu.enqueue_indirect_dma source(%dma_start3A_75 : memref<10000x128xf32, #tpu.memory_space<hbm>>) target(%arg10 : memref<128x128xf32, #tpu.memory_space<vmem>>) offsets(%dma_start3A_72 : memref<128xi32, #tpu.memory_space<vmem>>) semaphore(%arg12 : memref<!tpu.dma_semaphore, #tpu.memory_space<semaphore_mem>>)
      %scan3A_76 = arith.constant 0 : i32
      %scan3A_77 = arith.constant 20 : i32
      %scan3A_78 = arith.addi %scan3A_76, %scan3A_77 : i32
      %scan3A_79 = arith.constant 1 : i32
      scf.for %scan3A_81 = %scan3A_76 to %scan3A_78 step %scan3A_79  : i32 {
        %mul3A_82 = arith.constant 1 : i32
        %mul3A_83 = arith.muli %scan3A_81, %mul3A_82 : i32
        %add3A_84 = arith.constant 0 : i32
        %add3A_85 = arith.addi %add3A_84, %mul3A_83 : i32
        %mul3A_86 = arith.constant 2 : i32
        %mul3A_87 = arith.muli %add3A_85, %mul3A_86 : i32
        %add3A_88 = arith.constant 0 : i32
        %add3A_89 = arith.addi %mul3A_87, %add3A_88 : i32
        %dma_wait3A = arith.constant 0 : i32
        %dma_wait3A_90 = tpu.memref_slice %arg7[%add3A_89, %dma_wait3A] : memref<40x128xi32, #tpu.memory_space<vmem>> -> memref<1x128xi32, #tpu.memory_space<vmem>>
        %dma_wait3A_91 = tpu.memref_squeeze %dma_wait3A_90 : memref<1x128xi32, #tpu.memory_space<vmem>> -> memref<128xi32, #tpu.memory_space<vmem>>
        %dma_wait3A_92 = arith.constant 0 : i32
        %dma_wait3A_93 = arith.constant 0 : i32
        %dma_wait3A_94 = tpu.memref_slice %arg4[%dma_wait3A_92, %dma_wait3A_93] : memref<10000x128xf32, #tpu.memory_space<hbm>> -> memref<10000x128xf32, #tpu.memory_space<hbm>>
        tpu.wait_indirect_dma semaphore(%arg11 : memref<!tpu.dma_semaphore, #tpu.memory_space<semaphore_mem>>) src(%dma_wait3A_94 : memref<10000x128xf32, #tpu.memory_space<hbm>>) dst(%arg9 : memref<128x128xf32, #tpu.memory_space<vmem>>)
        "tpu.region"() ({
          %run_scoped3A = tpu.sem_alloc : memref<!tpu.dma_semaphore, #tpu.memory_space<semaphore_mem>>
          %dma_start3A_116 = arith.constant 0 : i32
          %dma_start3A_117 = tpu.memref_slice %arg8[%add3A_89, %dma_start3A_116] : memref<40x128xi32, #tpu.memory_space<vmem>> -> memref<1x128xi32, #tpu.memory_space<vmem>>
          %dma_start3A_118 = tpu.memref_squeeze %dma_start3A_117 : memref<1x128xi32, #tpu.memory_space<vmem>> -> memref<128xi32, #tpu.memory_space<vmem>>
          %dma_start3A_119 = arith.constant 0 : i32
          %dma_start3A_120 = arith.constant 0 : i32
          %dma_start3A_121 = tpu.memref_slice %arg6[%dma_start3A_119, %dma_start3A_120] : memref<10112x128xf32, #tpu.memory_space<vmem_shared>> -> memref<10112x128xf32, #tpu.memory_space<vmem_shared>>
          tpu.enqueue_indirect_dma source(%arg9 : memref<128x128xf32, #tpu.memory_space<vmem>>) target(%dma_start3A_121 : memref<10112x128xf32, #tpu.memory_space<vmem_shared>>) offsets(%dma_start3A_118 : memref<128xi32, #tpu.memory_space<vmem>>) semaphore(%run_scoped3A : memref<!tpu.dma_semaphore, #tpu.memory_space<semaphore_mem>>) {add = true}
          %dma_wait3A_122 = arith.constant 0 : i32
          %dma_wait3A_123 = tpu.memref_slice %arg8[%add3A_89, %dma_wait3A_122] : memref<40x128xi32, #tpu.memory_space<vmem>> -> memref<1x128xi32, #tpu.memory_space<vmem>>
          %dma_wait3A_124 = tpu.memref_squeeze %dma_wait3A_123 : memref<1x128xi32, #tpu.memory_space<vmem>> -> memref<128xi32, #tpu.memory_space<vmem>>
          %dma_wait3A_125 = arith.constant 0 : i32
          %dma_wait3A_126 = arith.constant 0 : i32
          %dma_wait3A_127 = tpu.memref_slice %arg6[%dma_wait3A_125, %dma_wait3A_126] : memref<10112x128xf32, #tpu.memory_space<vmem_shared>> -> memref<10112x128xf32, #tpu.memory_space<vmem_shared>>
          tpu.wait_indirect_dma semaphore(%run_scoped3A : memref<!tpu.dma_semaphore, #tpu.memory_space<semaphore_mem>>) src(%arg9 : memref<128x128xf32, #tpu.memory_space<vmem>>) dst(%dma_wait3A_127 : memref<10112x128xf32, #tpu.memory_space<vmem_shared>>)
          tpu.yield
        }) : () -> ()
        %add3A_95 = arith.constant 2 : i32
        %add3A_96 = arith.addi %add3A_89, %add3A_95 : i32
        %lt3A = arith.constant 40 : i32
        %lt3A_97 = arith.cmpi slt, %add3A_96, %lt3A : i32
        %convert_element_type3A = arith.extui %lt3A_97 : i1 to i32
        %cond3A = arith.constant 0 : i32
        %cond3A_98 = arith.cmpi ne, %convert_element_type3A, %cond3A : i32
        scf.if %cond3A_98 {
          %add3A_116 = arith.constant 2 : i32
          %add3A_117 = arith.addi %add3A_89, %add3A_116 : i32
          %dma_start3A_118 = arith.constant 0 : i32
          %dma_start3A_119 = tpu.memref_slice %arg7[%add3A_117, %dma_start3A_118] : memref<40x128xi32, #tpu.memory_space<vmem>> -> memref<1x128xi32, #tpu.memory_space<vmem>>
          %dma_start3A_120 = tpu.memref_squeeze %dma_start3A_119 : memref<1x128xi32, #tpu.memory_space<vmem>> -> memref<128xi32, #tpu.memory_space<vmem>>
          %dma_start3A_121 = arith.constant 0 : i32
          %dma_start3A_122 = arith.constant 0 : i32
          %dma_start3A_123 = tpu.memref_slice %arg4[%dma_start3A_121, %dma_start3A_122] : memref<10000x128xf32, #tpu.memory_space<hbm>> -> memref<10000x128xf32, #tpu.memory_space<hbm>>
          tpu.enqueue_indirect_dma source(%dma_start3A_123 : memref<10000x128xf32, #tpu.memory_space<hbm>>) target(%arg9 : memref<128x128xf32, #tpu.memory_space<vmem>>) offsets(%dma_start3A_120 : memref<128xi32, #tpu.memory_space<vmem>>) semaphore(%arg11 : memref<!tpu.dma_semaphore, #tpu.memory_space<semaphore_mem>>)
        } else {
        }
        %mul3A_99 = arith.constant 2 : i32
        %mul3A_100 = arith.muli %add3A_85, %mul3A_99 : i32
        %add3A_101 = arith.constant 1 : i32
        %add3A_102 = arith.addi %mul3A_100, %add3A_101 : i32
        %dma_wait3A_103 = arith.constant 0 : i32
        %dma_wait3A_104 = tpu.memref_slice %arg7[%add3A_102, %dma_wait3A_103] : memref<40x128xi32, #tpu.memory_space<vmem>> -> memref<1x128xi32, #tpu.memory_space<vmem>>
        %dma_wait3A_105 = tpu.memref_squeeze %dma_wait3A_104 : memref<1x128xi32, #tpu.memory_space<vmem>> -> memref<128xi32, #tpu.memory_space<vmem>>
        %dma_wait3A_106 = arith.constant 0 : i32
        %dma_wait3A_107 = arith.constant 0 : i32
        %dma_wait3A_108 = tpu.memref_slice %arg4[%dma_wait3A_106, %dma_wait3A_107] : memref<10000x128xf32, #tpu.memory_space<hbm>> -> memref<10000x128xf32, #tpu.memory_space<hbm>>
        tpu.wait_indirect_dma semaphore(%arg12 : memref<!tpu.dma_semaphore, #tpu.memory_space<semaphore_mem>>) src(%dma_wait3A_108 : memref<10000x128xf32, #tpu.memory_space<hbm>>) dst(%arg10 : memref<128x128xf32, #tpu.memory_space<vmem>>)
        "tpu.region"() ({
          %run_scoped3A = tpu.sem_alloc : memref<!tpu.dma_semaphore, #tpu.memory_space<semaphore_mem>>
          %dma_start3A_116 = arith.constant 0 : i32
          %dma_start3A_117 = tpu.memref_slice %arg8[%add3A_102, %dma_start3A_116] : memref<40x128xi32, #tpu.memory_space<vmem>> -> memref<1x128xi32, #tpu.memory_space<vmem>>
          %dma_start3A_118 = tpu.memref_squeeze %dma_start3A_117 : memref<1x128xi32, #tpu.memory_space<vmem>> -> memref<128xi32, #tpu.memory_space<vmem>>
          %dma_start3A_119 = arith.constant 0 : i32
          %dma_start3A_120 = arith.constant 0 : i32
          %dma_start3A_121 = tpu.memref_slice %arg6[%dma_start3A_119, %dma_start3A_120] : memref<10112x128xf32, #tpu.memory_space<vmem_shared>> -> memref<10112x128xf32, #tpu.memory_space<vmem_shared>>
          tpu.enqueue_indirect_dma source(%arg10 : memref<128x128xf32, #tpu.memory_space<vmem>>) target(%dma_start3A_121 : memref<10112x128xf32, #tpu.memory_space<vmem_shared>>) offsets(%dma_start3A_118 : memref<128xi32, #tpu.memory_space<vmem>>) semaphore(%run_scoped3A : memref<!tpu.dma_semaphore, #tpu.memory_space<semaphore_mem>>) {add = true}
          %dma_wait3A_122 = arith.constant 0 : i32
          %dma_wait3A_123 = tpu.memref_slice %arg8[%add3A_102, %dma_wait3A_122] : memref<40x128xi32, #tpu.memory_space<vmem>> -> memref<1x128xi32, #tpu.memory_space<vmem>>
          %dma_wait3A_124 = tpu.memref_squeeze %dma_wait3A_123 : memref<1x128xi32, #tpu.memory_space<vmem>> -> memref<128xi32, #tpu.memory_space<vmem>>
          %dma_wait3A_125 = arith.constant 0 : i32
          %dma_wait3A_126 = arith.constant 0 : i32
          %dma_wait3A_127 = tpu.memref_slice %arg6[%dma_wait3A_125, %dma_wait3A_126] : memref<10112x128xf32, #tpu.memory_space<vmem_shared>> -> memref<10112x128xf32, #tpu.memory_space<vmem_shared>>
          tpu.wait_indirect_dma semaphore(%run_scoped3A : memref<!tpu.dma_semaphore, #tpu.memory_space<semaphore_mem>>) src(%arg10 : memref<128x128xf32, #tpu.memory_space<vmem>>) dst(%dma_wait3A_127 : memref<10112x128xf32, #tpu.memory_space<vmem_shared>>)
          tpu.yield
        }) : () -> ()
        %add3A_109 = arith.constant 2 : i32
        %add3A_110 = arith.addi %add3A_102, %add3A_109 : i32
        %lt3A_111 = arith.constant 40 : i32
        %lt3A_112 = arith.cmpi slt, %add3A_110, %lt3A_111 : i32
        %convert_element_type3A_113 = arith.extui %lt3A_112 : i1 to i32
        %cond3A_114 = arith.constant 0 : i32
        %cond3A_115 = arith.cmpi ne, %convert_element_type3A_113, %cond3A_114 : i32
        scf.if %cond3A_115 {
          %add3A_116 = arith.constant 2 : i32
          %add3A_117 = arith.addi %add3A_102, %add3A_116 : i32
          %dma_start3A_118 = arith.constant 0 : i32
          %dma_start3A_119 = tpu.memref_slice %arg7[%add3A_117, %dma_start3A_118] : memref<40x128xi32, #tpu.memory_space<vmem>> -> memref<1x128xi32, #tpu.memory_space<vmem>>
          %dma_start3A_120 = tpu.memref_squeeze %dma_start3A_119 : memref<1x128xi32, #tpu.memory_space<vmem>> -> memref<128xi32, #tpu.memory_space<vmem>>
          %dma_start3A_121 = arith.constant 0 : i32
          %dma_start3A_122 = arith.constant 0 : i32
          %dma_start3A_123 = tpu.memref_slice %arg4[%dma_start3A_121, %dma_start3A_122] : memref<10000x128xf32, #tpu.memory_space<hbm>> -> memref<10000x128xf32, #tpu.memory_space<hbm>>
          tpu.enqueue_indirect_dma source(%dma_start3A_123 : memref<10000x128xf32, #tpu.memory_space<hbm>>) target(%arg10 : memref<128x128xf32, #tpu.memory_space<vmem>>) offsets(%dma_start3A_120 : memref<128xi32, #tpu.memory_space<vmem>>) semaphore(%arg12 : memref<!tpu.dma_semaphore, #tpu.memory_space<semaphore_mem>>)
        } else {
        }
      }
      %scan3A_80 = arith.constant 20 : i32
    }
    %scan3A_33 = arith.constant 2 : i32
    %barrier3A_34 = arith.constant 0 : index
    tpu.barrier barrier_id(%barrier3A_34)
    %mul3A_35 = arith.constant 632 : i32
    %mul3A_36 = arith.muli %arg1, %mul3A_35 : i32
    %add3A_37 = arith.constant 0 : i32
    %add3A_38 = arith.addi %mul3A_36, %add3A_37 : i32
    "tpu.region"() ({
      %run_scoped3A = tpu.sem_alloc : memref<!tpu.dma_semaphore, #tpu.memory_space<semaphore_mem>>
      %dma_start3A = arith.constant 0 : i32
      %dma_start3A_55 = tpu.memref_slice %arg5[%arg0, %add3A_38, %dma_start3A] : memref<2x10112x128xf32, #tpu.memory_space<hbm>> -> memref<1x128x128xf32, #tpu.memory_space<hbm>>
      %dma_start3A_56 = tpu.memref_squeeze %dma_start3A_55 : memref<1x128x128xf32, #tpu.memory_space<hbm>> -> memref<128x128xf32, #tpu.memory_space<hbm>>
      %dma_start3A_57 = arith.constant 0 : i32
      %dma_start3A_58 = tpu.memref_slice %arg6[%add3A_38, %dma_start3A_57] : memref<10112x128xf32, #tpu.memory_space<vmem_shared>> -> memref<128x128xf32, #tpu.memory_space<vmem_shared>>
      tpu.enqueue_dma source(%dma_start3A_58 : memref<128x128xf32, #tpu.memory_space<vmem_shared>>) target(%dma_start3A_56 : memref<128x128xf32, #tpu.memory_space<hbm>>) target_semaphore(%run_scoped3A : memref<!tpu.dma_semaphore, #tpu.memory_space<semaphore_mem>>)
      %dma_wait3A = arith.constant 0 : i32
      %dma_wait3A_59 = tpu.memref_slice %arg5[%arg0, %add3A_38, %dma_wait3A] : memref<2x10112x128xf32, #tpu.memory_space<hbm>> -> memref<1x128x128xf32, #tpu.memory_space<hbm>>
      %dma_wait3A_60 = tpu.memref_squeeze %dma_wait3A_59 : memref<1x128x128xf32, #tpu.memory_space<hbm>> -> memref<128x128xf32, #tpu.memory_space<hbm>>
      %dma_wait3A_61 = arith.constant 0 : i32
      %dma_wait3A_62 = tpu.memref_slice %arg6[%add3A_38, %dma_wait3A_61] : memref<10112x128xf32, #tpu.memory_space<vmem_shared>> -> memref<128x128xf32, #tpu.memory_space<vmem_shared>>
      tpu.wait_dma2 semaphore(%run_scoped3A : memref<!tpu.dma_semaphore, #tpu.memory_space<semaphore_mem>>) src(%dma_wait3A_62 : memref<128x128xf32, #tpu.memory_space<vmem_shared>>) dst(%dma_wait3A_60 : memref<128x128xf32, #tpu.memory_space<hbm>>)
      tpu.yield
    }) : () -> ()
    %mul3A_39 = arith.constant 632 : i32
    %mul3A_40 = arith.muli %arg1, %mul3A_39 : i32
    %add3A_41 = arith.constant 128 : i32
    %add3A_42 = arith.addi %mul3A_40, %add3A_41 : i32
    "tpu.region"() ({
      %run_scoped3A = tpu.sem_alloc : memref<!tpu.dma_semaphore, #tpu.memory_space<semaphore_mem>>
      %dma_start3A = arith.constant 0 : i32
      %dma_start3A_55 = tpu.memref_slice %arg5[%arg0, %add3A_42, %dma_start3A] : memref<2x10112x128xf32, #tpu.memory_space<hbm>> -> memref<1x128x128xf32, #tpu.memory_space<hbm>>
      %dma_start3A_56 = tpu.memref_squeeze %dma_start3A_55 : memref<1x128x128xf32, #tpu.memory_space<hbm>> -> memref<128x128xf32, #tpu.memory_space<hbm>>
      %dma_start3A_57 = arith.constant 0 : i32
      %dma_start3A_58 = tpu.memref_slice %arg6[%add3A_42, %dma_start3A_57] : memref<10112x128xf32, #tpu.memory_space<vmem_shared>> -> memref<128x128xf32, #tpu.memory_space<vmem_shared>>
      tpu.enqueue_dma source(%dma_start3A_58 : memref<128x128xf32, #tpu.memory_space<vmem_shared>>) target(%dma_start3A_56 : memref<128x128xf32, #tpu.memory_space<hbm>>) target_semaphore(%run_scoped3A : memref<!tpu.dma_semaphore, #tpu.memory_space<semaphore_mem>>)
      %dma_wait3A = arith.constant 0 : i32
      %dma_wait3A_59 = tpu.memref_slice %arg5[%arg0, %add3A_42, %dma_wait3A] : memref<2x10112x128xf32, #tpu.memory_space<hbm>> -> memref<1x128x128xf32, #tpu.memory_space<hbm>>
      %dma_wait3A_60 = tpu.memref_squeeze %dma_wait3A_59 : memref<1x128x128xf32, #tpu.memory_space<hbm>> -> memref<128x128xf32, #tpu.memory_space<hbm>>
      %dma_wait3A_61 = arith.constant 0 : i32
      %dma_wait3A_62 = tpu.memref_slice %arg6[%add3A_42, %dma_wait3A_61] : memref<10112x128xf32, #tpu.memory_space<vmem_shared>> -> memref<128x128xf32, #tpu.memory_space<vmem_shared>>
      tpu.wait_dma2 semaphore(%run_scoped3A : memref<!tpu.dma_semaphore, #tpu.memory_space<semaphore_mem>>) src(%dma_wait3A_62 : memref<128x128xf32, #tpu.memory_space<vmem_shared>>) dst(%dma_wait3A_60 : memref<128x128xf32, #tpu.memory_space<hbm>>)
      tpu.yield
    }) : () -> ()
    %mul3A_43 = arith.constant 632 : i32
    %mul3A_44 = arith.muli %arg1, %mul3A_43 : i32
    %add3A_45 = arith.constant 256 : i32
    %add3A_46 = arith.addi %mul3A_44, %add3A_45 : i32
    "tpu.region"() ({
      %run_scoped3A = tpu.sem_alloc : memref<!tpu.dma_semaphore, #tpu.memory_space<semaphore_mem>>
      %dma_start3A = arith.constant 0 : i32
      %dma_start3A_55 = tpu.memref_slice %arg5[%arg0, %add3A_46, %dma_start3A] : memref<2x10112x128xf32, #tpu.memory_space<hbm>> -> memref<1x128x128xf32, #tpu.memory_space<hbm>>
      %dma_start3A_56 = tpu.memref_squeeze %dma_start3A_55 : memref<1x128x128xf32, #tpu.memory_space<hbm>> -> memref<128x128xf32, #tpu.memory_space<hbm>>
      %dma_start3A_57 = arith.constant 0 : i32
      %dma_start3A_58 = tpu.memref_slice %arg6[%add3A_46, %dma_start3A_57] : memref<10112x128xf32, #tpu.memory_space<vmem_shared>> -> memref<128x128xf32, #tpu.memory_space<vmem_shared>>
      tpu.enqueue_dma source(%dma_start3A_58 : memref<128x128xf32, #tpu.memory_space<vmem_shared>>) target(%dma_start3A_56 : memref<128x128xf32, #tpu.memory_space<hbm>>) target_semaphore(%run_scoped3A : memref<!tpu.dma_semaphore, #tpu.memory_space<semaphore_mem>>)
      %dma_wait3A = arith.constant 0 : i32
      %dma_wait3A_59 = tpu.memref_slice %arg5[%arg0, %add3A_46, %dma_wait3A] : memref<2x10112x128xf32, #tpu.memory_space<hbm>> -> memref<1x128x128xf32, #tpu.memory_space<hbm>>
      %dma_wait3A_60 = tpu.memref_squeeze %dma_wait3A_59 : memref<1x128x128xf32, #tpu.memory_space<hbm>> -> memref<128x128xf32, #tpu.memory_space<hbm>>
      %dma_wait3A_61 = arith.constant 0 : i32
      %dma_wait3A_62 = tpu.memref_slice %arg6[%add3A_46, %dma_wait3A_61] : memref<10112x128xf32, #tpu.memory_space<vmem_shared>> -> memref<128x128xf32, #tpu.memory_space<vmem_shared>>
      tpu.wait_dma2 semaphore(%run_scoped3A : memref<!tpu.dma_semaphore, #tpu.memory_space<semaphore_mem>>) src(%dma_wait3A_62 : memref<128x128xf32, #tpu.memory_space<vmem_shared>>) dst(%dma_wait3A_60 : memref<128x128xf32, #tpu.memory_space<hbm>>)
      tpu.yield
    }) : () -> ()
    %mul3A_47 = arith.constant 632 : i32
    %mul3A_48 = arith.muli %arg1, %mul3A_47 : i32
    %add3A_49 = arith.constant 384 : i32
    %add3A_50 = arith.addi %mul3A_48, %add3A_49 : i32
    "tpu.region"() ({
      %run_scoped3A = tpu.sem_alloc : memref<!tpu.dma_semaphore, #tpu.memory_space<semaphore_mem>>
      %dma_start3A = arith.constant 0 : i32
      %dma_start3A_55 = tpu.memref_slice %arg5[%arg0, %add3A_50, %dma_start3A] : memref<2x10112x128xf32, #tpu.memory_space<hbm>> -> memref<1x128x128xf32, #tpu.memory_space<hbm>>
      %dma_start3A_56 = tpu.memref_squeeze %dma_start3A_55 : memref<1x128x128xf32, #tpu.memory_space<hbm>> -> memref<128x128xf32, #tpu.memory_space<hbm>>
      %dma_start3A_57 = arith.constant 0 : i32
      %dma_start3A_58 = tpu.memref_slice %arg6[%add3A_50, %dma_start3A_57] : memref<10112x128xf32, #tpu.memory_space<vmem_shared>> -> memref<128x128xf32, #tpu.memory_space<vmem_shared>>
      tpu.enqueue_dma source(%dma_start3A_58 : memref<128x128xf32, #tpu.memory_space<vmem_shared>>) target(%dma_start3A_56 : memref<128x128xf32, #tpu.memory_space<hbm>>) target_semaphore(%run_scoped3A : memref<!tpu.dma_semaphore, #tpu.memory_space<semaphore_mem>>)
      %dma_wait3A = arith.constant 0 : i32
      %dma_wait3A_59 = tpu.memref_slice %arg5[%arg0, %add3A_50, %dma_wait3A] : memref<2x10112x128xf32, #tpu.memory_space<hbm>> -> memref<1x128x128xf32, #tpu.memory_space<hbm>>
      %dma_wait3A_60 = tpu.memref_squeeze %dma_wait3A_59 : memref<1x128x128xf32, #tpu.memory_space<hbm>> -> memref<128x128xf32, #tpu.memory_space<hbm>>
      %dma_wait3A_61 = arith.constant 0 : i32
      %dma_wait3A_62 = tpu.memref_slice %arg6[%add3A_50, %dma_wait3A_61] : memref<10112x128xf32, #tpu.memory_space<vmem_shared>> -> memref<128x128xf32, #tpu.memory_space<vmem_shared>>
      tpu.wait_dma2 semaphore(%run_scoped3A : memref<!tpu.dma_semaphore, #tpu.memory_space<semaphore_mem>>) src(%dma_wait3A_62 : memref<128x128xf32, #tpu.memory_space<vmem_shared>>) dst(%dma_wait3A_60 : memref<128x128xf32, #tpu.memory_space<hbm>>)
      tpu.yield
    }) : () -> ()
    %mul3A_51 = arith.constant 632 : i32
    %mul3A_52 = arith.muli %arg1, %mul3A_51 : i32
    %add3A_53 = arith.constant 512 : i32
    %add3A_54 = arith.addi %mul3A_52, %add3A_53 : i32
    "tpu.region"() ({
      %run_scoped3A = tpu.sem_alloc : memref<!tpu.dma_semaphore, #tpu.memory_space<semaphore_mem>>
      %dma_start3A = arith.constant 0 : i32
      %dma_start3A_55 = tpu.memref_slice %arg5[%arg0, %add3A_54, %dma_start3A] : memref<2x10112x128xf32, #tpu.memory_space<hbm>> -> memref<1x120x128xf32, #tpu.memory_space<hbm>>
      %dma_start3A_56 = tpu.memref_squeeze %dma_start3A_55 : memref<1x120x128xf32, #tpu.memory_space<hbm>> -> memref<120x128xf32, #tpu.memory_space<hbm>>
      %dma_start3A_57 = arith.constant 0 : i32
      %dma_start3A_58 = tpu.memref_slice %arg6[%add3A_54, %dma_start3A_57] : memref<10112x128xf32, #tpu.memory_space<vmem_shared>> -> memref<120x128xf32, #tpu.memory_space<vmem_shared>>
      tpu.enqueue_dma source(%dma_start3A_58 : memref<120x128xf32, #tpu.memory_space<vmem_shared>>) target(%dma_start3A_56 : memref<120x128xf32, #tpu.memory_space<hbm>>) target_semaphore(%run_scoped3A : memref<!tpu.dma_semaphore, #tpu.memory_space<semaphore_mem>>)
      %dma_wait3A = arith.constant 0 : i32
      %dma_wait3A_59 = tpu.memref_slice %arg5[%arg0, %add3A_54, %dma_wait3A] : memref<2x10112x128xf32, #tpu.memory_space<hbm>> -> memref<1x120x128xf32, #tpu.memory_space<hbm>>
      %dma_wait3A_60 = tpu.memref_squeeze %dma_wait3A_59 : memref<1x120x128xf32, #tpu.memory_space<hbm>> -> memref<120x128xf32, #tpu.memory_space<hbm>>
      %dma_wait3A_61 = arith.constant 0 : i32
      %dma_wait3A_62 = tpu.memref_slice %arg6[%add3A_54, %dma_wait3A_61] : memref<10112x128xf32, #tpu.memory_space<vmem_shared>> -> memref<120x128xf32, #tpu.memory_space<vmem_shared>>
      tpu.wait_dma2 semaphore(%run_scoped3A : memref<!tpu.dma_semaphore, #tpu.memory_space<semaphore_mem>>) src(%dma_wait3A_62 : memref<120x128xf32, #tpu.memory_space<vmem_shared>>) dst(%dma_wait3A_60 : memref<120x128xf32, #tpu.memory_space<hbm>>)
      tpu.yield
    }) : () -> ()
    return
  }
}

module attributes {stable_mosaic.version = 14 : i64} {
  func.func @_mm_scale_kernel(%arg0: i32, %arg1: memref<32x1x256xf32, #tpu.memory_space<vmem>>, %arg2: memref<256x128xf32, #tpu.memory_space<vmem>>, %arg3: memref<128x128xf32, #tpu.memory_space<vmem>>, %arg4: memref<256x128xf32, #tpu.memory_space<vmem>>) attributes {dimension_semantics = [#tpu.dimension_semantics<arbitrary>], iteration_bounds = array<i64: 40>, scalar_prefetch = 0 : i64, scratch_operands = 0 : i64, tpu.core_type = #tpu.core_type<tc>, window_params = [{transform_indices = @transform_0, window_bounds = array<i64: 32, 1, 256>}, {transform_indices = @transform_1, window_bounds = array<i64: 256, 128>}, {pipeline_mode = #tpu.pipeline_mode<synchronous>, transform_indices = @transform_2, window_bounds = array<i64: 128, 128>}, {transform_indices = @transform_3, window_bounds = array<i64: 256, 128>}]} {
    %get3A = arith.constant 0 : index
    %get3A_0 = arith.constant 0 : index
    %get3A_1 = arith.constant 0 : index
    %get3A_2 = vector.load %arg1[%get3A, %get3A_0, %get3A_1] : memref<32x1x256xf32, #tpu.memory_space<vmem>>, vector<32x1x256xf32>
    %reduce_sum3A = arith.constant dense<0.000000e+00> : vector<256xf32>
    %reduce_sum3A_3 = vector.multi_reduction <add>, %get3A_2, %reduce_sum3A [0, 1] : vector<32x1x256xf32> to vector<256xf32>
    %add3A = arith.constant 1.000000e+00 : f32
    %add3A_4 = vector.broadcast %add3A : f32 to vector<256xf32>
    %add3A_5 = arith.addf %reduce_sum3A_3, %add3A_4 : vector<256xf32>
    %rsqrt3A = math.rsqrt %add3A_5 : vector<256xf32>
    %get3A_6 = arith.constant 0 : index
    %get3A_7 = arith.constant 0 : index
    %get3A_8 = vector.load %arg2[%get3A_6, %get3A_7] : memref<256x128xf32, #tpu.memory_space<vmem>>, vector<256x128xf32>
    %get3A_9 = arith.constant 0 : index
    %get3A_10 = arith.constant 0 : index
    %get3A_11 = vector.load %arg3[%get3A_9, %get3A_10] : memref<128x128xf32, #tpu.memory_space<vmem>>, vector<128x128xf32>
    %dot_general3A = arith.constant dense<0.000000e+00> : vector<256x128xf32>
    %dot_general3A_12 = tpu.matmul %get3A_8, %get3A_11, %dot_general3A {dimension_numbers = #tpu.dot_dimension_numbers<[1], [1], [0], [0], [0, 0, 1, 0], [], []>, transpose_lhs_hint = false} : vector<256x128xf32>, vector<128x128xf32>, vector<256x128xf32> -> vector<256x128xf32>
    %broadcast_in_dim3A = vector.shape_cast %rsqrt3A : vector<256xf32> to vector<256x1xf32>
    %mul3A = vector.broadcast %broadcast_in_dim3A : vector<256x1xf32> to vector<256x128xf32>
    %mul3A_13 = arith.mulf %dot_general3A_12, %mul3A : vector<256x128xf32>
    %swap3A = arith.constant 0 : index
    %swap3A_14 = arith.constant 0 : index
    %swap3A_15 = vector.load %arg4[%swap3A, %swap3A_14] : memref<256x128xf32, #tpu.memory_space<vmem>>, vector<256x128xf32>
    tpu.vector_store %arg4[%swap3A, %swap3A_14], %mul3A_13 {strides = array<i32>} : memref<256x128xf32, #tpu.memory_space<vmem>>, vector<256x128xf32>,
    return
  }
  func.func @transform_0(%arg0: i32) -> (i32, i32, i32) {
    %c0_i32 = arith.constant 0 : i32
    %c0_i32_0 = arith.constant 0 : i32
    %c0_i32_1 = arith.constant 0 : i32
    return %c0_i32, %c0_i32_0, %arg0 : i32, i32, i32
  }
  func.func @transform_1(%arg0: i32) -> (i32, i32) {
    %c0_i32 = arith.constant 0 : i32
    %c0_i32_0 = arith.constant 0 : i32
    return %arg0, %c0_i32 : i32, i32
  }
  func.func @transform_2(%arg0: i32) -> (i32, i32) {
    %c0_i32 = arith.constant 0 : i32
    %c0_i32_0 = arith.constant 0 : i32
    %c0_i32_1 = arith.constant 0 : i32
    return %c0_i32, %c0_i32_0 : i32, i32
  }
  func.func @transform_3(%arg0: i32) -> (i32, i32) {
    %c0_i32 = arith.constant 0 : i32
    %c0_i32_0 = arith.constant 0 : i32
    return %arg0, %c0_i32 : i32, i32
  }
}

module attributes {stable_mosaic.version = 14 : i64} {
  func.func @_final_kernel(%arg0: i32, %arg1: memref<32x1x256xf32, #tpu.memory_space<vmem>>, %arg2: memref<2x256x128xf32, #tpu.memory_space<vmem>>, %arg3: memref<256x128xf32, #tpu.memory_space<vmem>>, %arg4: memref<1x128xf32, #tpu.memory_space<vmem>>, %arg5: memref<256x128xf32, #tpu.memory_space<vmem>>) attributes {dimension_semantics = [#tpu.dimension_semantics<arbitrary>], iteration_bounds = array<i64: 40>, scalar_prefetch = 0 : i64, scratch_operands = 0 : i64, tpu.core_type = #tpu.core_type<tc>, window_params = [{transform_indices = @transform_0, window_bounds = array<i64: 32, 1, 256>}, {transform_indices = @transform_1, window_bounds = array<i64: 2, 256, 128>}, {transform_indices = @transform_2, window_bounds = array<i64: 256, 128>}, {pipeline_mode = #tpu.pipeline_mode<synchronous>, transform_indices = @transform_3, window_bounds = array<i64: 1, 128>}, {transform_indices = @transform_4, window_bounds = array<i64: 256, 128>}]} {
    %get3A = arith.constant 0 : index
    %get3A_0 = arith.constant 0 : index
    %get3A_1 = arith.constant 0 : index
    %get3A_2 = vector.load %arg1[%get3A, %get3A_0, %get3A_1] : memref<32x1x256xf32, #tpu.memory_space<vmem>>, vector<32x1x256xf32>
    %reduce_sum3A = arith.constant dense<0.000000e+00> : vector<256xf32>
    %reduce_sum3A_3 = vector.multi_reduction <add>, %get3A_2, %reduce_sum3A [0, 1] : vector<32x1x256xf32> to vector<256xf32>
    %add3A = arith.constant 1.000000e+00 : f32
    %add3A_4 = vector.broadcast %add3A : f32 to vector<256xf32>
    %add3A_5 = arith.addf %reduce_sum3A_3, %add3A_4 : vector<256xf32>
    %rsqrt3A = math.rsqrt %add3A_5 : vector<256xf32>
    %get3A_6 = arith.constant 0 : index
    %get3A_7 = arith.constant 0 : index
    %get3A_8 = arith.constant 0 : index
    %get3A_9 = vector.load %arg2[%get3A_6, %get3A_7, %get3A_8] : memref<2x256x128xf32, #tpu.memory_space<vmem>>, vector<1x256x128xf32>
    %get3A_10 = vector.shape_cast %get3A_9 : vector<1x256x128xf32> to vector<256x128xf32>
    %get3A_11 = arith.constant 1 : index
    %get3A_12 = arith.constant 0 : index
    %get3A_13 = arith.constant 0 : index
    %get3A_14 = vector.load %arg2[%get3A_11, %get3A_12, %get3A_13] : memref<2x256x128xf32, #tpu.memory_space<vmem>>, vector<1x256x128xf32>
    %get3A_15 = vector.shape_cast %get3A_14 : vector<1x256x128xf32> to vector<256x128xf32>
    %add3A_16 = arith.addf %get3A_10, %get3A_15 : vector<256x128xf32>
    %get3A_17 = arith.constant 0 : index
    %get3A_18 = arith.constant 0 : index
    %get3A_19 = vector.load %arg3[%get3A_17, %get3A_18] : memref<256x128xf32, #tpu.memory_space<vmem>>, vector<256x128xf32>
    %add3A_20 = arith.addf %add3A_16, %get3A_19 : vector<256x128xf32>
    %broadcast_in_dim3A = vector.shape_cast %rsqrt3A : vector<256xf32> to vector<256x1xf32>
    %mul3A = vector.broadcast %broadcast_in_dim3A : vector<256x1xf32> to vector<256x128xf32>
    %mul3A_21 = arith.mulf %mul3A, %add3A_20 : vector<256x128xf32>
    %get3A_22 = arith.constant 0 : index
    %get3A_23 = arith.constant 0 : index
    %get3A_24 = vector.load %arg4[%get3A_22, %get3A_23] : memref<1x128xf32, #tpu.memory_space<vmem>>, vector<1x128xf32>
    %add3A_25 = vector.broadcast %get3A_24 : vector<1x128xf32> to vector<256x128xf32>
    %add3A_26 = arith.addf %mul3A_21, %add3A_25 : vector<256x128xf32>
    %max3A = arith.constant 0.000000e+00 : f32
    %max3A_27 = vector.broadcast %max3A : f32 to vector<256x128xf32>
    %max3A_28 = arith.maximumf %add3A_26, %max3A_27 : vector<256x128xf32>
    %swap3A = arith.constant 0 : index
    %swap3A_29 = arith.constant 0 : index
    %swap3A_30 = vector.load %arg5[%swap3A, %swap3A_29] : memref<256x128xf32, #tpu.memory_space<vmem>>, vector<256x128xf32>
    tpu.vector_store %arg5[%swap3A, %swap3A_29], %max3A_28 {strides = array<i32>} : memref<256x128xf32, #tpu.memory_space<vmem>>, vector<256x128xf32>,
    return
  }
  func.func @transform_0(%arg0: i32) -> (i32, i32, i32) {
    %c0_i32 = arith.constant 0 : i32
    %c0_i32_0 = arith.constant 0 : i32
    %c0_i32_1 = arith.constant 0 : i32
    return %c0_i32, %c0_i32_0, %arg0 : i32, i32, i32
  }
  func.func @transform_1(%arg0: i32) -> (i32, i32, i32) {
    %c0_i32 = arith.constant 0 : i32
    %c0_i32_0 = arith.constant 0 : i32
    %c0_i32_1 = arith.constant 0 : i32
    return %c0_i32, %arg0, %c0_i32_0 : i32, i32, i32
  }
  func.func @transform_2(%arg0: i32) -> (i32, i32) {
    %c0_i32 = arith.constant 0 : i32
    %c0_i32_0 = arith.constant 0 : i32
    return %arg0, %c0_i32 : i32, i32
  }
  func.func @transform_3(%arg0: i32) -> (i32, i32) {
    %c0_i32 = arith.constant 0 : i32
    %c0_i32_0 = arith.constant 0 : i32
    %c0_i32_1 = arith.constant 0 : i32
    return %c0_i32, %c0_i32_0 : i32, i32
  }
  func.func @transform_4(%arg0: i32) -> (i32, i32) {
    %c0_i32 = arith.constant 0 : i32
    %c0_i32_0 = arith.constant 0 : i32
    return %arg0, %c0_i32 : i32, i32
  }
}

module attributes {stable_mosaic.version = 14 : i64} {
  func.func @_layer_kernel(%arg0: i32, %arg1: memref<32x1x256xf32, #tpu.memory_space<vmem>>, %arg2: memref<2x256x128xf32, #tpu.memory_space<vmem>>, %arg3: memref<256x128xf32, #tpu.memory_space<vmem>>, %arg4: memref<1x128xf32, #tpu.memory_space<vmem>>, %arg5: memref<128x128xf32, #tpu.memory_space<vmem>>, %arg6: memref<256x128xf32, #tpu.memory_space<vmem>>) attributes {dimension_semantics = [#tpu.dimension_semantics<arbitrary>], iteration_bounds = array<i64: 40>, scalar_prefetch = 0 : i64, scratch_operands = 0 : i64, tpu.core_type = #tpu.core_type<tc>, window_params = [{transform_indices = @transform_0, window_bounds = array<i64: 32, 1, 256>}, {transform_indices = @transform_1, window_bounds = array<i64: 2, 256, 128>}, {transform_indices = @transform_2, window_bounds = array<i64: 256, 128>}, {pipeline_mode = #tpu.pipeline_mode<synchronous>, transform_indices = @transform_3, window_bounds = array<i64: 1, 128>}, {pipeline_mode = #tpu.pipeline_mode<synchronous>, transform_indices = @transform_4, window_bounds = array<i64: 128, 128>}, {transform_indices = @transform_5, window_bounds = array<i64: 256, 128>}]} {
    %get3A = arith.constant 0 : index
    %get3A_0 = arith.constant 0 : index
    %get3A_1 = arith.constant 0 : index
    %get3A_2 = vector.load %arg1[%get3A, %get3A_0, %get3A_1] : memref<32x1x256xf32, #tpu.memory_space<vmem>>, vector<32x1x256xf32>
    %reduce_sum3A = arith.constant dense<0.000000e+00> : vector<256xf32>
    %reduce_sum3A_3 = vector.multi_reduction <add>, %get3A_2, %reduce_sum3A [0, 1] : vector<32x1x256xf32> to vector<256xf32>
    %add3A = arith.constant 1.000000e+00 : f32
    %add3A_4 = vector.broadcast %add3A : f32 to vector<256xf32>
    %add3A_5 = arith.addf %reduce_sum3A_3, %add3A_4 : vector<256xf32>
    %rsqrt3A = math.rsqrt %add3A_5 : vector<256xf32>
    %get3A_6 = arith.constant 0 : index
    %get3A_7 = arith.constant 0 : index
    %get3A_8 = arith.constant 0 : index
    %get3A_9 = vector.load %arg2[%get3A_6, %get3A_7, %get3A_8] : memref<2x256x128xf32, #tpu.memory_space<vmem>>, vector<1x256x128xf32>
    %get3A_10 = vector.shape_cast %get3A_9 : vector<1x256x128xf32> to vector<256x128xf32>
    %get3A_11 = arith.constant 1 : index
    %get3A_12 = arith.constant 0 : index
    %get3A_13 = arith.constant 0 : index
    %get3A_14 = vector.load %arg2[%get3A_11, %get3A_12, %get3A_13] : memref<2x256x128xf32, #tpu.memory_space<vmem>>, vector<1x256x128xf32>
    %get3A_15 = vector.shape_cast %get3A_14 : vector<1x256x128xf32> to vector<256x128xf32>
    %add3A_16 = arith.addf %get3A_10, %get3A_15 : vector<256x128xf32>
    %get3A_17 = arith.constant 0 : index
    %get3A_18 = arith.constant 0 : index
    %get3A_19 = vector.load %arg3[%get3A_17, %get3A_18] : memref<256x128xf32, #tpu.memory_space<vmem>>, vector<256x128xf32>
    %add3A_20 = arith.addf %add3A_16, %get3A_19 : vector<256x128xf32>
    %broadcast_in_dim3A = vector.shape_cast %rsqrt3A : vector<256xf32> to vector<256x1xf32>
    %mul3A = vector.broadcast %broadcast_in_dim3A : vector<256x1xf32> to vector<256x128xf32>
    %mul3A_21 = arith.mulf %mul3A, %add3A_20 : vector<256x128xf32>
    %get3A_22 = arith.constant 0 : index
    %get3A_23 = arith.constant 0 : index
    %get3A_24 = vector.load %arg4[%get3A_22, %get3A_23] : memref<1x128xf32, #tpu.memory_space<vmem>>, vector<1x128xf32>
    %add3A_25 = vector.broadcast %get3A_24 : vector<1x128xf32> to vector<256x128xf32>
    %add3A_26 = arith.addf %mul3A_21, %add3A_25 : vector<256x128xf32>
    %max3A = arith.constant 0.000000e+00 : f32
    %max3A_27 = vector.broadcast %max3A : f32 to vector<256x128xf32>
    %max3A_28 = arith.maximumf %add3A_26, %max3A_27 : vector<256x128xf32>
    %get3A_29 = arith.constant 0 : index
    %get3A_30 = arith.constant 0 : index
    %get3A_31 = vector.load %arg5[%get3A_29, %get3A_30] : memref<128x128xf32, #tpu.memory_space<vmem>>, vector<128x128xf32>
    %dot_general3A = arith.constant dense<0.000000e+00> : vector<256x128xf32>
    %dot_general3A_32 = tpu.matmul %max3A_28, %get3A_31, %dot_general3A {dimension_numbers = #tpu.dot_dimension_numbers<[1], [1], [0], [0], [0, 0, 1, 0], [], []>, transpose_lhs_hint = false} : vector<256x128xf32>, vector<128x128xf32>, vector<256x128xf32> -> vector<256x128xf32>
    %broadcast_in_dim3A_33 = vector.shape_cast %rsqrt3A : vector<256xf32> to vector<256x1xf32>
    %mul3A_34 = vector.broadcast %broadcast_in_dim3A_33 : vector<256x1xf32> to vector<256x128xf32>
    %mul3A_35 = arith.mulf %dot_general3A_32, %mul3A_34 : vector<256x128xf32>
    %swap3A = arith.constant 0 : index
    %swap3A_36 = arith.constant 0 : index
    %swap3A_37 = vector.load %arg6[%swap3A, %swap3A_36] : memref<256x128xf32, #tpu.memory_space<vmem>>, vector<256x128xf32>
    tpu.vector_store %arg6[%swap3A, %swap3A_36], %mul3A_35 {strides = array<i32>} : memref<256x128xf32, #tpu.memory_space<vmem>>, vector<256x128xf32>,
    return
  }
  func.func @transform_0(%arg0: i32) -> (i32, i32, i32) {
    %c0_i32 = arith.constant 0 : i32
    %c0_i32_0 = arith.constant 0 : i32
    %c0_i32_1 = arith.constant 0 : i32
    return %c0_i32, %c0_i32_0, %arg0 : i32, i32, i32
  }
  func.func @transform_1(%arg0: i32) -> (i32, i32, i32) {
    %c0_i32 = arith.constant 0 : i32
    %c0_i32_0 = arith.constant 0 : i32
    %c0_i32_1 = arith.constant 0 : i32
    return %c0_i32, %arg0, %c0_i32_0 : i32, i32, i32
  }
  func.func @transform_2(%arg0: i32) -> (i32, i32) {
    %c0_i32 = arith.constant 0 : i32
    %c0_i32_0 = arith.constant 0 : i32
    return %arg0, %c0_i32 : i32, i32
  }
  func.func @transform_3(%arg0: i32) -> (i32, i32) {
    %c0_i32 = arith.constant 0 : i32
    %c0_i32_0 = arith.constant 0 : i32
    %c0_i32_1 = arith.constant 0 : i32
    return %c0_i32, %c0_i32_0 : i32, i32
  }
  func.func @transform_4(%arg0: i32) -> (i32, i32) {
    %c0_i32 = arith.constant 0 : i32
    %c0_i32_0 = arith.constant 0 : i32
    %c0_i32_1 = arith.constant 0 : i32
    return %c0_i32, %c0_i32_0 : i32, i32
  }
  func.func @transform_5(%arg0: i32) -> (i32, i32) {
    %c0_i32 = arith.constant 0 : i32
    %c0_i32_0 = arith.constant 0 : i32
    return %arg0, %c0_i32 : i32, i32
  }
}

</mosaic_0001>

<sc_bundles>
// kernel: kernel.11.cloned.1.call-start
scs
__scs_entry_jumppad:
0x0: {  	(pc) =	sbr.rel $0x88, $3  }
0x1: {  	(tag) =	ssettag $0x0;
	lr =	simm.s32 $0x1  }
0x2: {  	[smem:$0x3F9B] =	sst lr;
	_ =	strace $0xD0000000  }
0x3: {  	_ = 	snop  }
0x4: {  	_ = 	snop  }
0x5: {  	_ = 	snop  }
0x6: {  	_ = 	snop  }
0x7: {  	_ = 	snop  }
__scs_overlays_trampoline_lowered:
0x8: {  	[smem:$0x3FAA] =	sst s0  }
0x9: {  	[smem:$0x3FAB] =	sst s1  }
0xa: {  	[smem:$0x3FAC] =	sst s2  }
0xb: {  	[smem:$0x3FAD] =	sst s3  }
0xc: {  	[smem:$0x3FAE] =	sst s4  }
0xd: {  	[smem:$0x3FAF] =	sst s5  }
0xe: {  	[smem:$0x3FB0] =	sst s6  }
0xf: {  	[smem:$0x3FB1] =	sst s7  }
0x10: {  	[smem:$0x3FB2] =	sst s8  }
0x11: {  	[smem:$0x3FB3] =	sst s9;
	s0 =	simm.s32 @!p0 $0x0  }
0x12: {  	s1 =	sld [smem:$0x3F99];
	s0 =	simm.s32 @p0 $0x1  }
0x13: {  	[smem:$0x3FB4] =	sst s0;
	s0 =	simm.s32 @!p1 $0x0  }
0x14: {  	s2 =	sld [smem:$0x3F98];
	s0 =	simm.s32 @p1 $0x1  }
0x15: {  	[smem:$0x3FB5] =	sst s0;
	s0 =	simm.s32 @!p2 $0x0  }
0x16: {  	s3 =	sld [smem:$0x3FDB];
	s0 =	simm.s32 @p2 $0x1  }
0x17: {  	s4 =	simm.s32 $0x1BF5;
	[smem:$0x3FB7] =	sst s0  }
0x18: {  	s0 =	sld [smem:$0x3F9A];
	_ =	swait.ge [sflag:s4], $0x0  }
0x19: {  	s7 =	sld [smem:$0x3F9B]  }
0x1a: {  	s8 =	sadd.s32 $0xFFFFE003, lr  }
0x1b: {  	s9 =	sadd.s32 $0xFFFFFEF7, lr;
	s5 =	simm.s32 $0xFFFFFFFF;
	p2 =	slt.u32 s8, $0xFFFFF086  }
0x1c: {  	p1 =	slt.u32 s9, $0xF7A;
	s5 =	simm.s32 @!p2 $0x0  }
0x1d: {  	s5 =	simm.s32 @p1 $0x1;
	p0 =	seq.s32 s7, s2  }
0x1e: {  	s7 =	smul.u32 @!p0 $0xF7A, s2;
	p2 =	seq.s32 @!p0 s5, $0x0  }
0x1f: {  	s9 =	smul.u32 $0xF7A, s1;
	s8 =	simm.s32 @!p0 $0x1BF5;
	p2 =	por !p2, p0  }
0x20: {  	[sflag:s8] =	ssyncset.s32 @!p0 $0xFFFFF086;
	s6 =	sadd.s32 @!p0 s3, s7;
	s7 =	simm.s32 @!p0 $0x108  }
0x21: {  	s3 =	sadd.s32 s3, s9;
	s6 =	sadd.s32 @!p0 $0x88, s6;
	s7 =	simm.s32 @p2 $0x1082  }
0x22: {  	[simem:s7], [sflag:s8] =	dma.local @!p0 [hbm:s6], $0xF7A  }
0x23: {  	s9 =	sor.u32 $0xD0000000, s2;
	s6 =	simm.s32 $0x108;
	_ =	swait.ge @!p0 [sflag:s8], $0x0  }
0x24: {  	s3 =	sadd.s32 $0x88, s3;
	s6 =	simm.s32 @!p1 $0x1082;
	[sflag:s4] =	ssyncset.s32 $0xFFFFF086  }
0x25: {  	[simem:s6], [sflag:s4] =	dma.local [hbm:s3], $0xF7A  }
0x26: {  	[smem:$0x3F9B] =	sst s1;
	(tag) =	ssettag s2;
	_ =	strace s9  }
0x27: {  	s1 =	sld [smem:$0x3FAB]  }
0x28: {  	s2 =	sld [smem:$0x3FAC]  }
0x29: {  	s4 =	sld [smem:$0x3FAE]  }
0x2a: {  	p0 =	seq.s32 s5, $0x0;
	s5 =	sld [smem:$0x3FAF]  }
0x2b: {  	s6 =	sld [smem:$0x3FB0]  }
0x2c: {  	s7 =	sld [smem:$0x3FB1]  }
0x2d: {  	s3 =	simm.s32 $0x108;
	s8 =	sld [smem:$0x3FB2]  }
0x2e: {  	s3 =	simm.s32 @!p0 $0x1082;
	s9 =	sld [smem:$0x3FB3]  }
0x2f: {  	lr =	sadd.s32 s0, s3;
	s0 =	sld [smem:$0x3FAA]  }
0x30: {  	s3 =	sld [smem:$0x3FAD]  }
0x31: {  	[smem:$0x3FB6] =	sst s10  }
0x32: {  	s10 =	sld [smem:$0x3FB4];
	_ =	sdelay $0x3  }
0x33: {  	p0 =	seq.s32 s10, $0x1;
	s10 =	sld [smem:$0x3FB6];
	_ =	sdelay $0x3  }
0x34: {  	[smem:$0x3FB6] =	sst s10  }
0x35: {  	s10 =	sld [smem:$0x3FB5];
	_ =	sdelay $0x3  }
0x36: {  	p1 =	seq.s32 s10, $0x1;
	s10 =	sld [smem:$0x3FB6];
	_ =	sdelay $0x3  }
0x37: {  	[smem:$0x3FB6] =	sst s10  }
0x38: {  	s10 =	sld [smem:$0x3FB7]  }
0x39: {  	_ = 	snop;
	(pc) =	sbr.ind lr, $3  }
0x3a: {  	_ = 	snop  }
0x3b: {  	_ = 	snop  }
0x3c: {  	p2 =	seq.s32 s10, $0x1;
	s10 =	sld [smem:$0x3FB6]  }
0x3d: {  	_ =	shalt  }
0x3e: {  	_ =	shalt  }
0x3f: {  	_ =	shalt  }
0x40: {  	_ =	shalt  }
0x41: {  	_ =	shalt  }
0x42: {  	_ =	shalt  }
0x43: {  	_ =	shalt  }
0x44: {  	_ =	shalt  }
0x45: {  	_ =	shalt  }
0x46: {  	_ =	shalt  }
0x47: {  	_ =	shalt  }
0x48: {  	_ =	shalt  }
0x49: {  	_ =	shalt  }
0x4a: {  	_ =	shalt  }
0x4b: {  	_ =	shalt  }
0x4c: {  	_ =	shalt  }
0x4d: {  	_ =	shalt  }
0x4e: {  	_ =	shalt  }
0x4f: {  	_ =	shalt  }
0x50: {  	_ =	shalt  }
0x51: {  	_ =	shalt  }
0x52: {  	_ =	shalt  }
0x53: {  	_ =	shalt  }
0x54: {  	_ =	shalt  }
0x55: {  	_ =	shalt  }
0x56: {  	_ =	shalt  }
0x57: {  	_ =	shalt  }
0x58: {  	_ =	shalt  }
0x59: {  	_ =	shalt  }
0x5a: {  	_ =	shalt  }
0x5b: {  	_ =	shalt  }
0x5c: {  	_ =	shalt  }
0x5d: {  	_ =	shalt  }
0x5e: {  	_ =	shalt  }
0x5f: {  	_ =	shalt  }
0x60: {  	_ =	shalt  }
0x61: {  	_ =	shalt  }
0x62: {  	_ =	shalt  }
0x63: {  	_ =	shalt  }
0x64: {  	_ =	shalt  }
0x65: {  	_ =	shalt  }
0x66: {  	_ =	shalt  }
0x67: {  	_ =	shalt  }
0x68: {  	_ =	shalt  }
0x69: {  	_ =	shalt  }
0x6a: {  	_ =	shalt  }
0x6b: {  	_ =	shalt  }
0x6c: {  	_ =	shalt  }
0x6d: {  	_ =	shalt  }
0x6e: {  	_ =	shalt  }
0x6f: {  	_ =	shalt  }
0x70: {  	_ =	shalt  }
0x71: {  	_ =	shalt  }
0x72: {  	_ =	shalt  }
0x73: {  	_ =	shalt  }
0x74: {  	_ =	shalt  }
0x75: {  	_ =	shalt  }
0x76: {  	_ =	shalt  }
0x77: {  	_ =	shalt  }
0x78: {  	_ =	shalt  }
0x79: {  	_ =	shalt  }
0x7a: {  	_ =	shalt  }
0x7b: {  	_ =	shalt  }
0x7c: {  	_ =	shalt  }
0x7d: {  	_ =	shalt  }
0x7e: {  	_ =	shalt  }
0x7f: {  	_ =	shalt  }
0x80: {  	_ =	shalt  }
0x81: {  	_ =	shalt  }
0x82: {  	_ =	shalt  }
0x83: {  	_ =	shalt  }
0x84: {  	_ =	shalt  }
0x85: {  	_ =	shalt  }
0x86: {  	_ =	shalt  }
0x87: {  	_ =	shalt  }
.Lfunc_end0:
.L_simem_size_0:
called_computation.1_lowered:
.L_overlay_start_0:
0x88: {  	s2 =	sld [smem:$0x3FD9]  }
0x89: {  	s3 =	sld [smem:$0x3FFE];
	_ =	sdelay $0x1  }
0x8a: {  	s1 =	srdreg.scid  }
0x8b: {  	s0 =	sand.u32 $0x1, s1  }
0x8c: {  	s17 =	sshll.u32 s0, $0xA;
	s2 =	sadd.s32 s3, s2  }
0x8d: {  	s2 =	sadd.s32 s2, s17  }
0x8e: {  	[smem:$0x3FC2] =	sst s2  }
0x8f: {  	_ = 	snop  }
0x90: {  	s2 =	sld [smem:$0x3FD0];
	(tm) =	ssettm $0x1  }
0x91: {  	s18 =	sld [smem:$0x3FFB];
	_ =	sdelay $0x3  }
0x92: {  	_ =	strace s18  }
0x93: {  	s3 =	sld [smem:$0x3FFC];
	_ =	sdelay $0x3  }
0x94: {  	_ =	strace s3  }
0x95: {  	s3 =	sld [smem:$0x3FFD];
	_ =	sdelay $0x3  }
0x96: {  	_ =	strace s3  }
0x97: {  	_ =	strace $0x8FFFFFFF  }
0x98: {  	s19 =	sld [smem:$0x3FDB];
	_ =	sdelay $0x1  }
0x99: {  	s4 =	simm.s32 $_scs_section_size  }
0x9a: {  	s5 =	simm.s32 $_size__tile_overlayer_lowered;
	s6 =	simm.s32 $_tile_overlayer_lowered  }
0x9b: {  	s22 =	simm.s32 $0x1BFF;
	s21 =	sshll.u32 s6, $0x1;
	s3 =	sadd.s32 s4, s19  }
0x9c: {  	s7 =	simm.s32 $0x0;
	s20 =	sshll.u32 s5, $0x1;
	s5 =	sadd.s32 s21, s3  }
0x9d: {  	[timem:s7], [sflag:s22] =	dma.local [hbm:s5], s20  }
0x9e: {  	_ =	swait.ge [sflag:s22], s20  }
0x9f: {  	s4 =	ssub.s32 $0x0, s20;
	[sflag:s22] =	ssyncset.done $0x0  }
0xa0: {  	[sflag:s22] =	ssyncadd.s32 s4;
	_ =	sdelay $0x1  }
0xa1: {  	s23 =	simm.s32 $0x1B8B  }
0xa2: {  	_ =	swait.ge [sflag:s23], $0x1  }
0xa3: {  	[sflag:s23] =	ssyncset.done $0x0  }
0xa4: {  	s25 =	simm.s32 $0x1B8E;
	s24 =	sld [smem:$0x3FFE];
	[sflag:s23] =	ssyncadd.s32 $0xFFFFFFFF  }
0xa5: {  	s26 =	simm.s32 $execute0_lowered;
	[smem:$0x3FD2] =	sst s25  }
0xa6: {  	s5 =	sshll.u32 s26, $0x1;
	_ =	strace $0x80000049;
	[dreg:$0x1] =	wrdreg $0xFFFFFFFF  }
0xa7: {  	s28 =	simm.s32 $_size_execute0_lowered;
	s3 =	sadd.s32 s3, s5;
	[dreg:$0x0] =	wrdreg $0x0  }
0xa8: {  	s5 =	sshll.u32 s28, $0x1;
	[dreg:$0x2] =	wrdreg s3  }
0xa9: {  	[dreg:$0x3] =	wrdreg s5  }
0xaa: {  	[dreg:$0x4] =	wrdreg $0xC0  }
0xab: {  	_ =	task [dreg:s7], $0x5FFFF  }
0xac: {  	[dreg:$0x1] =	wrdreg $0xFFFFFFFF  }
0xad: {  	[dreg:$0x0] =	wrdreg $0x60  }
0xae: {  	[dreg:$0x2] =	wrdreg s24  }
0xaf: {  	[dreg:$0x3] =	wrdreg s2  }
0xb0: {  	[dreg:$0x4] =	wrdreg $0x0  }
0xb1: {  	[dreg:$0x5] =	wrdreg $0x9  }
0xb2: {  	_ =	task.clear_ibuf [dreg:s7], $0x6FFFF;
	_ =	strace $0x90000049  }
0xb3: {  	s29 =	simm.s32 $0x9;
	_ =	strace $0x8000004B  }
0xb4: {  	_ =	swait.ge [sflag:s29], $0x1  }
0xb5: {  	[sflag:s29] =	ssyncadd.s32 $0xFFFFFFFF  }
0xb6: {  	_ =	strace $0x9000004B  }
0xb7: {  	_ =	sfence  }
0xb8: {  	s30 =	sld [smem:$0x0];
	_ =	sdelay $0x2  }
0xb9: {  	s31 =	sshll.u32 s1, $0xD;
	s1 =	sshrl.u32 s1, $0x2  }
0xba: {  	s3 =	sand.u32 $0x4000, s31;
	s1 =	sadd.s32 s1, s30  }
0xbb: {  	s0 =	sor.u32 s3, s0;
	s1 =	sshll.u32 s1, $0x11  }
0xbc: {  	s0 =	sor.u32 s1, s0  }
0xbd: {  	s0 =	sadd.s32 $0x8F2B, s0  }
0xbe: {  	[sflag:s0] =	ssyncadd.remote.s32 $0x1  }
0xbf: {  	_ =	sfence.sel $0xFFFF  }
0xc0: {  	[dreg:$0x0] =	wrdreg $0xFFFFFFFF;
	(pc) =	sbr.abs _section_cstart, $3  }
0xc1: {  	[dreg:$0x1] =	wrdreg $0xFFFFFFFF  }
0xc2: {  	_ =	task.clear_ibuf [dreg:s7], $0x2FFFF;
	_ =	strace $0x9FFFFFFF  }
0xc3: {  	(tm) =	ssettm $0x7FFFFFFF  }
tec
execute0_lowered:
.L_overlay_start_1:
0x0: {  	(tag) =	ssettag $0x1  }
0x1: {  	s0 =	rddreg [dreg:$0x0]  }
0x2: {  	s1 =	rddreg [dreg:$0x1]  }
0x3: {  	s2 =	rddreg [dreg:$0x2];
	s4 =	simm.s32 $0x0;
	s3 =	srdreg.scid  }
0x4: {  	s17 =	stileid.u32;
	s28 =	simm.s32 $0x1;
	s29 =	simm.s32 $0x2  }
0x5: {  	s30 =	simm.s32 $0x16300;
	s31 =	simm.s32 $0x16380;
	[smem:$0x7FF] =	sst s4  }
0x6: {  	s3 =	sand.u32 $0x1, s3;
	s5 =	smul.u32 $0x4F000, s17;
	s18 =	sadd.s32 $0x16000, s0  }
0x7: {  	s19 =	sadd.s32 $0xC000, s0;
	s9 =	smul.u32 $0x13C00, s17;
	s0 =	sadd.s32 $0x20000, s0  }
0x8: {  	s17 =	smul.u32 $0x500, s17;
	_ =	strace $0x8000004A;
	s6 =	ssub.s32 $0x2, s3  }
0x9: {  	s13 =	smul.u32 $0x13C000, s3;
	p0 =	seq.s32 s3, $0x0;
	s7 =	sshrl.u32 s6, $0x1  }
0xa: {  	s5 =	sshrl.u32 s5, $0x2;
	s11 =	sadd.s32 $0x4000, s9;
	s12 =	sadd.s32 $0x8000, s9  }
0xb: {  	s14 =	sadd.s32 $0xC000, s9;
	s16 =	sadd.s32 $0x10000, s9;
	s15 =	ssub.s32 s6, s7  }
0xc: {  	s5 =	sadd.s32 s5, s2;
	s6 =	sadd.s32 s11, s2;
	s7 =	sadd.s32 s12, s2  }
0xd: {  	s8 =	sadd.s32 s14, s2;
	s10 =	sadd.s32 s9, s13;
	s9 =	sadd.s32 s16, s2  }
0xe: {  	s21 =	sadd.s32 s13, s11;
	s22 =	sadd.s32 s13, s12;
	s23 =	sadd.s32 s13, s14  }
0xf: {  	s24 =	sadd.s32 s13, s16;
	s20 =	sshrl.u32 s10, $0x3;
	s12 =	sshrl.u32 s22, $0x3  }
0x10: {  	s25 =	sshrl.u32 s24, $0x3;
	s15 =	smax.u32 s15, $0x1;
	s22 =	simm.s32 $0x13C00  }
0x11: {  	s24 =	simm.s32 $0x80;
	s3 =	sadd.s32 s0, s20;
	s12 =	sadd.s32 s0, s12  }
0x12: {  	s20 =	sadd.s32 $0x5000, s17;
	s14 =	sadd.s32 s0, s25;
	s25 =	simm.s32 $0x13C80  }
0x13: {  	[dreg:$0x4] =	wrdreg s3;
	s3 =	sshrl.u32 s21, $0x3;
	s20 =	smov.u32 @p0 s17  }
0x14: {  	s21 =	simm.s32 $0x3;
	s11 =	sadd.s32 s0, s3;
	s3 =	sshrl.u32 s23, $0x3  }
0x15: {  	s26 =	sadd.s32 $0x280, s20;
	s16 =	sadd.s32 s18, s20;
	s17 =	sadd.s32 s19, s20  }
0x16: {  	s20 =	simm.s32 $0x16400;
	s23 =	simm.s32 $0x15000;
	s13 =	sadd.s32 s0, s3  }
0x17: {  	v0 =	vimm.f32 $0.0e+00;
	s18 =	sadd.s32 s18, s26;
	s19 =	sadd.s32 s19, s26;
	s26 =	simm.s32 $0x1A400  }
.LBB2_1:
0x18: {  	s0 =	simm.s32 $0x0;
	s3 =	simm.s32 $0x200  }
.LBB2_2:
0x19: {  	p0 =	sne.s32 s3, $0xFE00;
	[tilespmem:s0+$0x16470] =	vst v0  }
0x1a: {  	[tilespmem:s0+$0x16400] =	vst v0  }
0x1b: {  	[tilespmem:s0+$0x16410] =	vst v0  }
.Ltmp0:
0x1c: {  	[tilespmem:s0+$0x16420] =	vst v0;
	(pc) =	sbr.rel @p0 .LBB2_2-.Ltmp0, $4  }
0x1d: {  	[tilespmem:s0+$0x16430] =	vst v0  }
0x1e: {  	[tilespmem:s0+$0x16440] =	vst v0  }
0x1f: {  	[tilespmem:s0+$0x16450] =	vst v0  }
0x20: {  	[tilespmem:s0+$0x16460] =	vst v0;
	s0 =	sshra.s32 s3, $0x2;
	s3 =	sadd.s32 $0x200, s3  }
0x21: {  	[tilespmem:s0+$0x16470] =	vst v0  }
0x22: {  	[tilespmem:s0+$0x16400] =	vst v0  }
0x23: {  	[tilespmem:s0+$0x16410] =	vst v0  }
0x24: {  	[tilespmem:s0+$0x16420] =	vst v0  }
0x25: {  	[tilespmem:s0+$0x16430] =	vst v0  }
0x26: {  	[tilespmem:s0+$0x16440] =	vst v0  }
0x27: {  	[tilespmem:s0+$0x16450] =	vst v0  }
0x28: {  	[tilespmem:s0+$0x16460] =	vst v0  }
0x29: {  	[spmem:s5] =	stream.linear.scatter [tilespmem:s20], [sflag:$0x3], $0x4000, $0x38;
	[tilespmem:$0x1E400] =	vst v63  }
0x2a: {  	_ =	swait.ge [sflag:s21], $0x4000  }
0x2b: {  	[sflag:s21] =	ssyncset.done $0x0  }
0x2c: {  	[sflag:s21] =	ssyncadd.s32 $0xFFFFC000  }
0x2d: {  	[spmem:s6] =	stream.linear.scatter [tilespmem:s20], [sflag:$0x3], $0x4000, $0x38;
	[tilespmem:$0x1E400] =	vst v63  }
0x2e: {  	_ =	swait.ge [sflag:s21], $0x4000  }
0x2f: {  	[sflag:s21] =	ssyncset.done $0x0  }
0x30: {  	[sflag:s21] =	ssyncadd.s32 $0xFFFFC000  }
0x31: {  	[spmem:s7] =	stream.linear.scatter [tilespmem:s20], [sflag:$0x3], $0x4000, $0x38;
	[tilespmem:$0x1E400] =	vst v63  }
0x32: {  	_ =	swait.ge [sflag:s21], $0x4000  }
0x33: {  	[sflag:s21] =	ssyncset.done $0x0  }
0x34: {  	[sflag:s21] =	ssyncadd.s32 $0xFFFFC000  }
0x35: {  	[spmem:s8] =	stream.linear.scatter [tilespmem:s20], [sflag:$0x3], $0x4000, $0x38;
	[tilespmem:$0x1E400] =	vst v63  }
0x36: {  	_ =	swait.ge [sflag:s21], $0x4000  }
0x37: {  	[sflag:s21] =	ssyncset.done $0x0  }
0x38: {  	[sflag:s21] =	ssyncadd.s32 $0xFFFFC000  }
0x39: {  	[spmem:s9] =	stream.linear.scatter [tilespmem:s20], [sflag:$0x3], $0x3C00, $0x38;
	[tilespmem:$0x1E400] =	vst v63  }
0x3a: {  	_ =	swait.ge [sflag:s21], $0x3C00  }
0x3b: {  	[sflag:s21] =	ssyncset.done $0x0  }
0x3c: {  	[sflag:s21] =	ssyncadd.s32 $0xFFFFC400  }
0x3d: {  	s3 =	simm.s32 $0x0;
	[bflag:$0x0] =	sbarrier.arrive $0xFFFF  }
0x3e: {  	[tilespmem:s22], [sflag:$0x3] =	stream.linear.gather [hbm4b:s16+s3], $0x1400, $0x38;
	[tilespmem:$0x1E400] =	vst v63  }
0x3f: {  	_ =	swait.ge [sflag:s21], $0x1400  }
0x40: {  	[sflag:s21] =	ssyncset.done $0x0  }
0x41: {  	[sflag:s21] =	ssyncadd.s32 $0xFFFFEC00  }
0x42: {  	[tilespmem:s23], [sflag:$0x3] =	stream.linear.gather [hbm4b:s17+s3], $0x1400, $0x38;
	[tilespmem:$0x1E400] =	vst v63  }
0x43: {  	_ =	swait.ge [sflag:s21], $0x1400  }
0x44: {  	[sflag:s21] =	ssyncset.done $0x0  }
0x45: {  	[sflag:s21] =	ssyncadd.s32 $0xFFFFEC00  }
0x46: {  	[tilespmem:s20], [sflag:$0x1] =	stream.indirect.gather [hbm4b:s1+s24], $0x80, s22, s24, $0xb8;
	[tilespmem:$0x1E400] =	vst v63  }
0x47: {  	_ = 	snop  }
0x48: {  	[tilespmem:s26], [sflag:$0x2] =	stream.indirect.gather [hbm4b:s1+s24], $0x80, s25, s24, $0xb8;
	[tilespmem:$0x1E400] =	vst v63  }
0x49: {  	_ =	swait.ge [sflag:s28], $0x4000  }
0x4a: {  	[sflag:s28] =	ssyncset.done $0x0  }
0x4b: {  	s10 =	simm.s32 $0x15000;
	[sflag:s28] =	ssyncadd.s32 $0xFFFFC000  }
0x4c: {  	[spmem:s2] =	stream.indirect.scatter.add.f32 [tilespmem:s20], [sflag:$0x3], $0x80, s10, s24, $0xb8;
	[tilespmem:$0x1E400] =	vst v63  }
0x4d: {  	_ =	swait.ge [sflag:s21], $0x4000  }
0x4e: {  	[sflag:s21] =	ssyncset.done $0x0  }
0x4f: {  	s3 =	simm.s32 $0x13D00;
	[sflag:s21] =	ssyncadd.s32 $0xFFFFC000  }
0x50: {  	[tilespmem:s20], [sflag:$0x1] =	stream.indirect.gather [hbm4b:s1+s24], $0x80, s3, s24, $0xb8;
	[tilespmem:$0x1E400] =	vst v63  }
0x51: {  	_ =	swait.ge [sflag:s29], $0x4000  }
0x52: {  	[sflag:s29] =	ssyncset.done $0x0  }
0x53: {  	s10 =	simm.s32 $0x15080;
	[sflag:s29] =	ssyncadd.s32 $0xFFFFC000  }
0x54: {  	[spmem:s2] =	stream.indirect.scatter.add.f32 [tilespmem:s26], [sflag:$0x3], $0x80, s10, s24, $0xb8;
	[tilespmem:$0x1E400] =	vst v63  }
0x55: {  	_ =	swait.ge [sflag:s21], $0x4000  }
0x56: {  	[sflag:s21] =	ssyncset.done $0x0  }
0x57: {  	s0 =	simm.s32 $0x400;
	s3 =	simm.s32 $0x13D80;
	[sflag:s21] =	ssyncadd.s32 $0xFFFFC000  }
.LBB2_4:
0x58: {  	[tilespmem:s26], [sflag:$0x2] =	stream.indirect.gather [hbm4b:s1+s24], $0x80, s3, s24, $0xb8;
	[tilespmem:$0x1E400] =	vst v63  }
0x59: {  	s3 =	smov.u32 s0  }
0x5a: {  	p0 =	sne.s32 s0, $0x4800;
	s0 =	sadd.s32 $0x400, s0;
	_ =	swait.ge [sflag:s28], $0x4000  }
0x5b: {  	s3 =	sshra.s32 s3, $0x2;
	[sflag:s28] =	ssyncset.done $0x0  }
0x5c: {  	s10 =	sadd.s32 $0x15000, s3;
	[sflag:s28] =	ssyncadd.s32 $0xFFFFC000  }
0x5d: {  	[spmem:s2] =	stream.indirect.scatter.add.f32 [tilespmem:s20], [sflag:$0x3], $0x80, s10, s24, $0xb8;
	[tilespmem:$0x1E400] =	vst v63  }
0x5e: {  	_ =	swait.ge [sflag:s21], $0x4000  }
0x5f: {  	[sflag:s21] =	ssyncset.done $0x0  }
0x60: {  	s10 =	sadd.s32 $0x13D00, s3;
	[sflag:s21] =	ssyncadd.s32 $0xFFFFC000  }
0x61: {  	[tilespmem:s20], [sflag:$0x1] =	stream.indirect.gather [hbm4b:s1+s24], $0x80, s10, s24, $0xb8;
	[tilespmem:$0x1E400] =	vst v63  }
0x62: {  	_ =	swait.ge [sflag:s29], $0x4000  }
0x63: {  	[sflag:s29] =	ssyncset.done $0x0  }
.Ltmp1:
0x64: {  	s10 =	sadd.s32 $0x15080, s3;
	[sflag:s29] =	ssyncadd.s32 $0xFFFFC000;
	(pc) =	sbr.rel @p0 .LBB2_4-.Ltmp1, $4  }
0x65: {  	[spmem:s2] =	stream.indirect.scatter.add.f32 [tilespmem:s26], [sflag:$0x3], $0x80, s10, s24, $0xb8;
	[tilespmem:$0x1E400] =	vst v63  }
0x66: {  	_ =	swait.ge [sflag:s21], $0x4000  }
0x67: {  	[sflag:s21] =	ssyncset.done $0x0  }
0x68: {  	s3 =	sadd.s32 $0x13D80, s3;
	[sflag:s21] =	ssyncadd.s32 $0xFFFFC000  }
0x69: {  	[tilespmem:s26], [sflag:$0x2] =	stream.indirect.gather [hbm4b:s1+s24], $0x80, s3, s24, $0xb8;
	[tilespmem:$0x1E400] =	vst v63  }
0x6a: {  	_ =	swait.ge [sflag:s28], $0x4000  }
0x6b: {  	[sflag:s28] =	ssyncset.done $0x0  }
0x6c: {  	[sflag:s28] =	ssyncadd.s32 $0xFFFFC000  }
0x6d: {  	[spmem:s2] =	stream.indirect.scatter.add.f32 [tilespmem:s20], [sflag:$0x3], $0x80, s30, s24, $0xb8;
	[tilespmem:$0x1E400] =	vst v63  }
0x6e: {  	_ =	swait.ge [sflag:s21], $0x4000  }
0x6f: {  	[sflag:s21] =	ssyncset.done $0x0  }
0x70: {  	[sflag:s21] =	ssyncadd.s32 $0xFFFFC000  }
0x71: {  	_ =	swait.ge [sflag:s29], $0x4000  }
0x72: {  	[sflag:s29] =	ssyncset.done $0x0  }
0x73: {  	[sflag:s29] =	ssyncadd.s32 $0xFFFFC000  }
0x74: {  	[spmem:s2] =	stream.indirect.scatter.add.f32 [tilespmem:s26], [sflag:$0x3], $0x80, s31, s24, $0xb8;
	[tilespmem:$0x1E400] =	vst v63  }
0x75: {  	_ =	swait.ge [sflag:s21], $0x4000  }
0x76: {  	[sflag:s21] =	ssyncset.done $0x0  }
0x77: {  	s0 =	simm.s32 $0x0;
	[sflag:s21] =	ssyncadd.s32 $0xFFFFC000  }
0x78: {  	[tilespmem:s22], [sflag:$0x3] =	stream.linear.gather [hbm4b:s18+s0], $0x1400, $0x38;
	[tilespmem:$0x1E400] =	vst v63  }
0x79: {  	_ =	swait.ge [sflag:s21], $0x1400  }
0x7a: {  	[sflag:s21] =	ssyncset.done $0x0  }
0x7b: {  	[sflag:s21] =	ssyncadd.s32 $0xFFFFEC00  }
0x7c: {  	[tilespmem:s23], [sflag:$0x3] =	stream.linear.gather [hbm4b:s19+s0], $0x1400, $0x38;
	[tilespmem:$0x1E400] =	vst v63  }
0x7d: {  	_ =	swait.ge [sflag:s21], $0x1400  }
0x7e: {  	[sflag:s21] =	ssyncset.done $0x0  }
0x7f: {  	[sflag:s21] =	ssyncadd.s32 $0xFFFFEC00  }
0x80: {  	[tilespmem:s20], [sflag:$0x1] =	stream.indirect.gather [hbm4b:s1+s24], $0x80, s22, s24, $0xb8;
	[tilespmem:$0x1E400] =	vst v63  }
0x81: {  	_ = 	snop  }
0x82: {  	[tilespmem:s26], [sflag:$0x2] =	stream.indirect.gather [hbm4b:s1+s24], $0x80, s25, s24, $0xb8;
	[tilespmem:$0x1E400] =	vst v63  }
0x83: {  	_ =	swait.ge [sflag:s28], $0x4000  }
0x84: {  	[sflag:s28] =	ssyncset.done $0x0  }
0x85: {  	s10 =	simm.s32 $0x15000;
	[sflag:s28] =	ssyncadd.s32 $0xFFFFC000  }
0x86: {  	[spmem:s2] =	stream.indirect.scatter.add.f32 [tilespmem:s20], [sflag:$0x3], $0x80, s10, s24, $0xb8;
	[tilespmem:$0x1E400] =	vst v63  }
0x87: {  	_ =	swait.ge [sflag:s21], $0x4000  }
0x88: {  	[sflag:s21] =	ssyncset.done $0x0  }
0x89: {  	s3 =	simm.s32 $0x13D00;
	[sflag:s21] =	ssyncadd.s32 $0xFFFFC000  }
0x8a: {  	[tilespmem:s20], [sflag:$0x1] =	stream.indirect.gather [hbm4b:s1+s24], $0x80, s3, s24, $0xb8;
	[tilespmem:$0x1E400] =	vst v63  }
0x8b: {  	_ =	swait.ge [sflag:s29], $0x4000  }
0x8c: {  	[sflag:s29] =	ssyncset.done $0x0  }
0x8d: {  	s10 =	simm.s32 $0x15080;
	[sflag:s29] =	ssyncadd.s32 $0xFFFFC000  }
0x8e: {  	[spmem:s2] =	stream.indirect.scatter.add.f32 [tilespmem:s26], [sflag:$0x3], $0x80, s10, s24, $0xb8;
	[tilespmem:$0x1E400] =	vst v63  }
0x8f: {  	_ =	swait.ge [sflag:s21], $0x4000  }
0x90: {  	[sflag:s21] =	ssyncset.done $0x0  }
0x91: {  	s0 =	simm.s32 $0x400;
	s3 =	simm.s32 $0x13D80;
	[sflag:s21] =	ssyncadd.s32 $0xFFFFC000  }
.LBB2_6:
0x92: {  	[tilespmem:s26], [sflag:$0x2] =	stream.indirect.gather [hbm4b:s1+s24], $0x80, s3, s24, $0xb8;
	[tilespmem:$0x1E400] =	vst v63  }
0x93: {  	s3 =	smov.u32 s0  }
0x94: {  	p0 =	sne.s32 s0, $0x4800;
	s0 =	sadd.s32 $0x400, s0;
	_ =	swait.ge [sflag:s28], $0x4000  }
0x95: {  	s3 =	sshra.s32 s3, $0x2;
	[sflag:s28] =	ssyncset.done $0x0  }
0x96: {  	s10 =	sadd.s32 $0x15000, s3;
	[sflag:s28] =	ssyncadd.s32 $0xFFFFC000  }
0x97: {  	[spmem:s2] =	stream.indirect.scatter.add.f32 [tilespmem:s20], [sflag:$0x3], $0x80, s10, s24, $0xb8;
	[tilespmem:$0x1E400] =	vst v63  }
0x98: {  	_ =	swait.ge [sflag:s21], $0x4000  }
0x99: {  	[sflag:s21] =	ssyncset.done $0x0  }
0x9a: {  	s10 =	sadd.s32 $0x13D00, s3;
	[sflag:s21] =	ssyncadd.s32 $0xFFFFC000  }
0x9b: {  	[tilespmem:s20], [sflag:$0x1] =	stream.indirect.gather [hbm4b:s1+s24], $0x80, s10, s24, $0xb8;
	[tilespmem:$0x1E400] =	vst v63  }
0x9c: {  	_ =	swait.ge [sflag:s29], $0x4000  }
0x9d: {  	[sflag:s29] =	ssyncset.done $0x0  }
.Ltmp2:
0x9e: {  	s10 =	sadd.s32 $0x15080, s3;
	[sflag:s29] =	ssyncadd.s32 $0xFFFFC000;
	(pc) =	sbr.rel @p0 .LBB2_6-.Ltmp2, $4  }
0x9f: {  	[spmem:s2] =	stream.indirect.scatter.add.f32 [tilespmem:s26], [sflag:$0x3], $0x80, s10, s24, $0xb8;
	[tilespmem:$0x1E400] =	vst v63  }
0xa0: {  	_ =	swait.ge [sflag:s21], $0x4000  }
0xa1: {  	[sflag:s21] =	ssyncset.done $0x0  }
0xa2: {  	s3 =	sadd.s32 $0x13D80, s3;
	[sflag:s21] =	ssyncadd.s32 $0xFFFFC000  }
0xa3: {  	[tilespmem:s26], [sflag:$0x2] =	stream.indirect.gather [hbm4b:s1+s24], $0x80, s3, s24, $0xb8;
	[tilespmem:$0x1E400] =	vst v63  }
0xa4: {  	_ =	swait.ge [sflag:s28], $0x4000  }
0xa5: {  	[sflag:s28] =	ssyncset.done $0x0  }
0xa6: {  	[sflag:s28] =	ssyncadd.s32 $0xFFFFC000  }
0xa7: {  	[spmem:s2] =	stream.indirect.scatter.add.f32 [tilespmem:s20], [sflag:$0x3], $0x80, s30, s24, $0xb8;
	[tilespmem:$0x1E400] =	vst v63  }
0xa8: {  	_ =	swait.ge [sflag:s21], $0x4000  }
0xa9: {  	[sflag:s21] =	ssyncset.done $0x0  }
0xaa: {  	[sflag:s21] =	ssyncadd.s32 $0xFFFFC000  }
0xab: {  	_ =	swait.ge [sflag:s29], $0x4000  }
0xac: {  	[sflag:s29] =	ssyncset.done $0x0  }
0xad: {  	[sflag:s29] =	ssyncadd.s32 $0xFFFFC000  }
0xae: {  	[spmem:s2] =	stream.indirect.scatter.add.f32 [tilespmem:s26], [sflag:$0x3], $0x80, s31, s24, $0xb8;
	[tilespmem:$0x1E400] =	vst v63  }
0xaf: {  	_ =	swait.ge [sflag:s21], $0x4000  }
0xb0: {  	[sflag:s21] =	ssyncset.done $0x0  }
0xb1: {  	s0 =	stileid.u32;
	[sflag:s21] =	ssyncadd.s32 $0xFFFFC000  }
0xb2: {  	s0 =	sshll.u32 s0, $0x6;
	[bflag:$0x0] =	sbarrier.arrive $0xFFFF  }
0xb3: {  	s3 =	sshrl.u32 s5, $0x3;
	s0 =	sor.u32 $0x1C03, s0;
	s10 =	rddreg [dreg:$0x4]  }
0xb4: {  	[hbm:s10], [sflag:s0] =	dma.local [spmem:s3], $0x800  }
0xb5: {  	_ =	swait.ge [sflag:s21], $0x800  }
0xb6: {  	[sflag:s21] =	ssyncset.done $0x0  }
0xb7: {  	s10 =	sshrl.u32 s6, $0x3;
	[sflag:s21] =	ssyncadd.s32 $0xFFFFF800  }
0xb8: {  	[hbm:s11], [sflag:s0] =	dma.local [spmem:s10], $0x800  }
0xb9: {  	_ =	swait.ge [sflag:s21], $0x800  }
0xba: {  	[sflag:s21] =	ssyncset.done $0x0  }
0xbb: {  	s10 =	sshrl.u32 s7, $0x3;
	[sflag:s21] =	ssyncadd.s32 $0xFFFFF800  }
0xbc: {  	[hbm:s12], [sflag:s0] =	dma.local [spmem:s10], $0x800  }
0xbd: {  	_ =	swait.ge [sflag:s21], $0x800  }
0xbe: {  	[sflag:s21] =	ssyncset.done $0x0  }
0xbf: {  	s10 =	sshrl.u32 s8, $0x3;
	[sflag:s21] =	ssyncadd.s32 $0xFFFFF800  }
0xc0: {  	[hbm:s13], [sflag:s0] =	dma.local [spmem:s10], $0x800  }
0xc1: {  	s4 =	sadd.s32 $0x1, s4;
	_ =	swait.ge [sflag:s21], $0x800  }
0xc2: {  	p0 =	sne.s32 s4, s15;
	[sflag:s21] =	ssyncset.done $0x0  }
.Ltmp3:
0xc3: {  	s10 =	sshrl.u32 s9, $0x3;
	[sflag:s21] =	ssyncadd.s32 $0xFFFFF800;
	(pc) =	sbr.rel @p0 .LBB2_1-.Ltmp3, $4  }
0xc4: {  	[hbm:s14], [sflag:s0] =	dma.local [spmem:s10], $0x780  }
0xc5: {  	_ =	swait.ge [sflag:s21], $0x780  }
0xc6: {  	[sflag:s21] =	ssyncset.done $0x0  }
0xc7: {  	[sflag:s21] =	ssyncadd.s32 $0xFFFFF880  }
0xc8: {  	_ =	sfence.sel $0x180000  }
0xc9: {  	[bflag:$0x0] =	sbarrier.arrive $0xFFFF  }
0xca: {  	_ =	strace $0x9000004A  }
0xcb: {  	s0 =	stileid.u32;
	[bflag:$0x2] =	sbarrier.arrive $0xFFFF  }
0xcc: {  	p0 =	sne.s32 s0, $0x0;
	s0 =	rddreg [dreg:$0x3]  }
0xcd: {  	s0 =	sadd.s32 @!p0 $0x100000, s0  }
0xce: {  	[sflag:s0] =	ssyncadd.tile.s32 @!p0 $0x1;
	_ =	shalt  }
.Lfunc_end2:
_tile_overlayer_lowered:
.L_overlay_start_2:
0xcf: {  	(tag) =	ssettag $0x2  }
0xd0: {  	s0 =	rddreg [dreg:$0x0];
	s2 =	stileid.u32  }
0xd1: {  	s1 =	rddreg [dreg:$0x1];
	p0 =	sne.s32 s2, $0x0  }
0xd2: {  	s3 =	rddreg [dreg:$0x2];
	[bflag:$0x3] =	sbarrier.arrive $0xFFFF;
	s2 =	simm.s32 @!p0 $0x1C03  }
0xd3: {  	[timem:s3], [sflag:s2] =	dma.local @!p0 [hbm:s0], s1  }
0xd4: {  	s0 =	simm.s32 @!p0 $0x3  }
0xd5: {  	_ =	swait.ge @!p0 [sflag:s0], s1  }
0xd6: {  	s1 =	ssub.s32 @!p0 $0x0, s1;
	[sflag:s0] =	ssyncset.done @!p0 $0x0  }
0xd7: {  	[sflag:s0] =	ssyncadd.s32 @!p0 s1  }
0xd8: {  	[bflag:$0x3] =	sbarrier.arrive $0xFFFF  }
0xd9: {  	_ =	shalt  }

// kernel: kernel.14.cloned.1.call-start
scs
__scs_entry_jumppad:
0x0: {  	(pc) =	sbr.rel $0x88, $3  }
0x1: {  	(tag) =	ssettag $0x0;
	lr =	simm.s32 $0x1  }
0x2: {  	[smem:$0x3F9B] =	sst lr;
	_ =	strace $0xD0000000  }
0x3: {  	_ = 	snop  }
0x4: {  	_ = 	snop  }
0x5: {  	_ = 	snop  }
0x6: {  	_ = 	snop  }
0x7: {  	_ = 	snop  }
__scs_overlays_trampoline_lowered:
0x8: {  	[smem:$0x3FAA] =	sst s0  }
0x9: {  	[smem:$0x3FAB] =	sst s1  }
0xa: {  	[smem:$0x3FAC] =	sst s2  }
0xb: {  	[smem:$0x3FAD] =	sst s3  }
0xc: {  	[smem:$0x3FAE] =	sst s4  }
0xd: {  	[smem:$0x3FAF] =	sst s5  }
0xe: {  	[smem:$0x3FB0] =	sst s6  }
0xf: {  	[smem:$0x3FB1] =	sst s7  }
0x10: {  	[smem:$0x3FB2] =	sst s8  }
0x11: {  	[smem:$0x3FB3] =	sst s9;
	s0 =	simm.s32 @!p0 $0x0  }
0x12: {  	s1 =	sld [smem:$0x3F99];
	s0 =	simm.s32 @p0 $0x1  }
0x13: {  	[smem:$0x3FB4] =	sst s0;
	s0 =	simm.s32 @!p1 $0x0  }
0x14: {  	s2 =	sld [smem:$0x3F98];
	s0 =	simm.s32 @p1 $0x1  }
0x15: {  	[smem:$0x3FB5] =	sst s0;
	s0 =	simm.s32 @!p2 $0x0  }
0x16: {  	s3 =	sld [smem:$0x3FDB];
	s0 =	simm.s32 @p2 $0x1  }
0x17: {  	s4 =	simm.s32 $0x1BF5;
	[smem:$0x3FB7] =	sst s0  }
0x18: {  	s0 =	sld [smem:$0x3F9A];
	_ =	swait.ge [sflag:s4], $0x0  }
0x19: {  	s7 =	sld [smem:$0x3F9B]  }
0x1a: {  	s8 =	sadd.s32 $0xFFFFE003, lr  }
0x1b: {  	s9 =	sadd.s32 $0xFFFFFEF7, lr;
	s5 =	simm.s32 $0xFFFFFFFF;
	p2 =	slt.u32 s8, $0xFFFFF086  }
0x1c: {  	p1 =	slt.u32 s9, $0xF7A;
	s5 =	simm.s32 @!p2 $0x0  }
0x1d: {  	s5 =	simm.s32 @p1 $0x1;
	p0 =	seq.s32 s7, s2  }
0x1e: {  	s7 =	smul.u32 @!p0 $0xF7A, s2;
	p2 =	seq.s32 @!p0 s5, $0x0  }
0x1f: {  	s9 =	smul.u32 $0xF7A, s1;
	s8 =	simm.s32 @!p0 $0x1BF5;
	p2 =	por !p2, p0  }
0x20: {  	[sflag:s8] =	ssyncset.s32 @!p0 $0xFFFFF086;
	s6 =	sadd.s32 @!p0 s3, s7;
	s7 =	simm.s32 @!p0 $0x108  }
0x21: {  	s3 =	sadd.s32 s3, s9;
	s6 =	sadd.s32 @!p0 $0x88, s6;
	s7 =	simm.s32 @p2 $0x1082  }
0x22: {  	[simem:s7], [sflag:s8] =	dma.local @!p0 [hbm:s6], $0xF7A  }
0x23: {  	s9 =	sor.u32 $0xD0000000, s2;
	s6 =	simm.s32 $0x108;
	_ =	swait.ge @!p0 [sflag:s8], $0x0  }
0x24: {  	s3 =	sadd.s32 $0x88, s3;
	s6 =	simm.s32 @!p1 $0x1082;
	[sflag:s4] =	ssyncset.s32 $0xFFFFF086  }
0x25: {  	[simem:s6], [sflag:s4] =	dma.local [hbm:s3], $0xF7A  }
0x26: {  	[smem:$0x3F9B] =	sst s1;
	(tag) =	ssettag s2;
	_ =	strace s9  }
0x27: {  	s1 =	sld [smem:$0x3FAB]  }
0x28: {  	s2 =	sld [smem:$0x3FAC]  }
0x29: {  	s4 =	sld [smem:$0x3FAE]  }
0x2a: {  	p0 =	seq.s32 s5, $0x0;
	s5 =	sld [smem:$0x3FAF]  }
0x2b: {  	s6 =	sld [smem:$0x3FB0]  }
0x2c: {  	s7 =	sld [smem:$0x3FB1]  }
0x2d: {  	s3 =	simm.s32 $0x108;
	s8 =	sld [smem:$0x3FB2]  }
0x2e: {  	s3 =	simm.s32 @!p0 $0x1082;
	s9 =	sld [smem:$0x3FB3]  }
0x2f: {  	lr =	sadd.s32 s0, s3;
	s0 =	sld [smem:$0x3FAA]  }
0x30: {  	s3 =	sld [smem:$0x3FAD]  }
0x31: {  	[smem:$0x3FB6] =	sst s10  }
0x32: {  	s10 =	sld [smem:$0x3FB4];
	_ =	sdelay $0x3  }
0x33: {  	p0 =	seq.s32 s10, $0x1;
	s10 =	sld [smem:$0x3FB6];
	_ =	sdelay $0x3  }
0x34: {  	[smem:$0x3FB6] =	sst s10  }
0x35: {  	s10 =	sld [smem:$0x3FB5];
	_ =	sdelay $0x3  }
0x36: {  	p1 =	seq.s32 s10, $0x1;
	s10 =	sld [smem:$0x3FB6];
	_ =	sdelay $0x3  }
0x37: {  	[smem:$0x3FB6] =	sst s10  }
0x38: {  	s10 =	sld [smem:$0x3FB7]  }
0x39: {  	_ = 	snop;
	(pc) =	sbr.ind lr, $3  }
0x3a: {  	_ = 	snop  }
0x3b: {  	_ = 	snop  }
0x3c: {  	p2 =	seq.s32 s10, $0x1;
	s10 =	sld [smem:$0x3FB6]  }
0x3d: {  	_ =	shalt  }
0x3e: {  	_ =	shalt  }
0x3f: {  	_ =	shalt  }
0x40: {  	_ =	shalt  }
0x41: {  	_ =	shalt  }
0x42: {  	_ =	shalt  }
0x43: {  	_ =	shalt  }
0x44: {  	_ =	shalt  }
0x45: {  	_ =	shalt  }
0x46: {  	_ =	shalt  }
0x47: {  	_ =	shalt  }
0x48: {  	_ =	shalt  }
0x49: {  	_ =	shalt  }
0x4a: {  	_ =	shalt  }
0x4b: {  	_ =	shalt  }
0x4c: {  	_ =	shalt  }
0x4d: {  	_ =	shalt  }
0x4e: {  	_ =	shalt  }
0x4f: {  	_ =	shalt  }
0x50: {  	_ =	shalt  }
0x51: {  	_ =	shalt  }
0x52: {  	_ =	shalt  }
0x53: {  	_ =	shalt  }
0x54: {  	_ =	shalt  }
0x55: {  	_ =	shalt  }
0x56: {  	_ =	shalt  }
0x57: {  	_ =	shalt  }
0x58: {  	_ =	shalt  }
0x59: {  	_ =	shalt  }
0x5a: {  	_ =	shalt  }
0x5b: {  	_ =	shalt  }
0x5c: {  	_ =	shalt  }
0x5d: {  	_ =	shalt  }
0x5e: {  	_ =	shalt  }
0x5f: {  	_ =	shalt  }
0x60: {  	_ =	shalt  }
0x61: {  	_ =	shalt  }
0x62: {  	_ =	shalt  }
0x63: {  	_ =	shalt  }
0x64: {  	_ =	shalt  }
0x65: {  	_ =	shalt  }
0x66: {  	_ =	shalt  }
0x67: {  	_ =	shalt  }
0x68: {  	_ =	shalt  }
0x69: {  	_ =	shalt  }
0x6a: {  	_ =	shalt  }
0x6b: {  	_ =	shalt  }
0x6c: {  	_ =	shalt  }
0x6d: {  	_ =	shalt  }
0x6e: {  	_ =	shalt  }
0x6f: {  	_ =	shalt  }
0x70: {  	_ =	shalt  }
0x71: {  	_ =	shalt  }
0x72: {  	_ =	shalt  }
0x73: {  	_ =	shalt  }
0x74: {  	_ =	shalt  }
0x75: {  	_ =	shalt  }
0x76: {  	_ =	shalt  }
0x77: {  	_ =	shalt  }
0x78: {  	_ =	shalt  }
0x79: {  	_ =	shalt  }
0x7a: {  	_ =	shalt  }
0x7b: {  	_ =	shalt  }
0x7c: {  	_ =	shalt  }
0x7d: {  	_ =	shalt  }
0x7e: {  	_ =	shalt  }
0x7f: {  	_ =	shalt  }
0x80: {  	_ =	shalt  }
0x81: {  	_ =	shalt  }
0x82: {  	_ =	shalt  }
0x83: {  	_ =	shalt  }
0x84: {  	_ =	shalt  }
0x85: {  	_ =	shalt  }
0x86: {  	_ =	shalt  }
0x87: {  	_ =	shalt  }
.Lfunc_end0:
.L_simem_size_0:
called_computation.2_lowered:
.L_overlay_start_0:
0x88: {  	s2 =	sld [smem:$0x3FD9]  }
0x89: {  	s3 =	sld [smem:$0x3FFE];
	_ =	sdelay $0x1  }
0x8a: {  	s1 =	srdreg.scid  }
0x8b: {  	s0 =	sand.u32 $0x1, s1  }
0x8c: {  	s17 =	sshll.u32 s0, $0xA;
	s2 =	sadd.s32 s3, s2  }
0x8d: {  	s2 =	sadd.s32 s2, s17  }
0x8e: {  	[smem:$0x3FC2] =	sst s2  }
0x8f: {  	_ = 	snop  }
0x90: {  	s2 =	sld [smem:$0x3FD0];
	(tm) =	ssettm $0x1  }
0x91: {  	s18 =	sld [smem:$0x3FFB];
	_ =	sdelay $0x3  }
0x92: {  	_ =	strace s18  }
0x93: {  	s3 =	sld [smem:$0x3FFC];
	_ =	sdelay $0x3  }
0x94: {  	_ =	strace s3  }
0x95: {  	s3 =	sld [smem:$0x3FFD];
	_ =	sdelay $0x3  }
0x96: {  	_ =	strace s3  }
0x97: {  	_ =	strace $0x8FFFFFFF  }
0x98: {  	s19 =	sld [smem:$0x3FDB];
	_ =	sdelay $0x1  }
0x99: {  	s4 =	simm.s32 $_scs_section_size  }
0x9a: {  	s5 =	simm.s32 $_size__tile_overlayer_lowered;
	s6 =	simm.s32 $_tile_overlayer_lowered  }
0x9b: {  	s22 =	simm.s32 $0x1BFF;
	s21 =	sshll.u32 s6, $0x1;
	s3 =	sadd.s32 s4, s19  }
0x9c: {  	s7 =	simm.s32 $0x0;
	s20 =	sshll.u32 s5, $0x1;
	s5 =	sadd.s32 s21, s3  }
0x9d: {  	[timem:s7], [sflag:s22] =	dma.local [hbm:s5], s20  }
0x9e: {  	_ =	swait.ge [sflag:s22], s20  }
0x9f: {  	s4 =	ssub.s32 $0x0, s20;
	[sflag:s22] =	ssyncset.done $0x0  }
0xa0: {  	[sflag:s22] =	ssyncadd.s32 s4;
	_ =	sdelay $0x1  }
0xa1: {  	s23 =	simm.s32 $0x1B8B  }
0xa2: {  	_ =	swait.ge [sflag:s23], $0x1  }
0xa3: {  	[sflag:s23] =	ssyncset.done $0x0  }
0xa4: {  	s25 =	simm.s32 $0x1B8E;
	s24 =	sld [smem:$0x3FFE];
	[sflag:s23] =	ssyncadd.s32 $0xFFFFFFFF  }
0xa5: {  	s26 =	simm.s32 $execute0_lowered;
	[smem:$0x3FD2] =	sst s25  }
0xa6: {  	s5 =	sshll.u32 s26, $0x1;
	_ =	strace $0x8000004C;
	[dreg:$0x1] =	wrdreg $0xFFFFFFFF  }
0xa7: {  	s28 =	simm.s32 $_size_execute0_lowered;
	s3 =	sadd.s32 s3, s5;
	[dreg:$0x0] =	wrdreg $0x0  }
0xa8: {  	s5 =	sshll.u32 s28, $0x1;
	[dreg:$0x2] =	wrdreg s3  }
0xa9: {  	[dreg:$0x3] =	wrdreg s5  }
0xaa: {  	[dreg:$0x4] =	wrdreg $0xC0  }
0xab: {  	_ =	task [dreg:s7], $0x5FFFF  }
0xac: {  	[dreg:$0x1] =	wrdreg $0xFFFFFFFF  }
0xad: {  	[dreg:$0x0] =	wrdreg $0x60  }
0xae: {  	[dreg:$0x2] =	wrdreg s24  }
0xaf: {  	[dreg:$0x3] =	wrdreg s2  }
0xb0: {  	[dreg:$0x4] =	wrdreg $0x0  }
0xb1: {  	[dreg:$0x5] =	wrdreg $0x9  }
0xb2: {  	_ =	task.clear_ibuf [dreg:s7], $0x6FFFF;
	_ =	strace $0x9000004C  }
0xb3: {  	s29 =	simm.s32 $0x9;
	_ =	strace $0x8000004E  }
0xb4: {  	_ =	swait.ge [sflag:s29], $0x1  }
0xb5: {  	[sflag:s29] =	ssyncadd.s32 $0xFFFFFFFF  }
0xb6: {  	_ =	strace $0x9000004E  }
0xb7: {  	_ =	sfence  }
0xb8: {  	s30 =	sld [smem:$0x0];
	_ =	sdelay $0x2  }
0xb9: {  	s31 =	sshll.u32 s1, $0xD;
	s1 =	sshrl.u32 s1, $0x2  }
0xba: {  	s3 =	sand.u32 $0x4000, s31;
	s1 =	sadd.s32 s1, s30  }
0xbb: {  	s0 =	sor.u32 s3, s0;
	s1 =	sshll.u32 s1, $0x11  }
0xbc: {  	s0 =	sor.u32 s1, s0  }
0xbd: {  	s0 =	sadd.s32 $0x8F2B, s0  }
0xbe: {  	[sflag:s0] =	ssyncadd.remote.s32 $0x1  }
0xbf: {  	_ =	sfence.sel $0xFFFF  }
0xc0: {  	[dreg:$0x0] =	wrdreg $0xFFFFFFFF;
	(pc) =	sbr.abs _section_cstart, $3  }
0xc1: {  	[dreg:$0x1] =	wrdreg $0xFFFFFFFF  }
0xc2: {  	_ =	task.clear_ibuf [dreg:s7], $0x2FFFF;
	_ =	strace $0x9FFFFFFF  }
0xc3: {  	(tm) =	ssettm $0x7FFFFFFF  }
tec
execute0_lowered:
.L_overlay_start_1:
0x0: {  	(tag) =	ssettag $0x1  }
0x1: {  	s0 =	rddreg [dreg:$0x0]  }
0x2: {  	s1 =	rddreg [dreg:$0x1]  }
0x3: {  	s2 =	rddreg [dreg:$0x2];
	s4 =	simm.s32 $0x0;
	s3 =	srdreg.scid  }
0x4: {  	s17 =	stileid.u32;
	s28 =	simm.s32 $0x1;
	s29 =	simm.s32 $0x2  }
0x5: {  	s30 =	simm.s32 $0x16300;
	s31 =	simm.s32 $0x16380;
	[smem:$0x7FF] =	sst s4  }
0x6: {  	s3 =	sand.u32 $0x1, s3;
	s5 =	smul.u32 $0x4F000, s17;
	s18 =	sadd.s32 $0x16000, s0  }
0x7: {  	s19 =	sadd.s32 $0xC000, s0;
	s9 =	smul.u32 $0x13C00, s17;
	s0 =	sadd.s32 $0x20000, s0  }
0x8: {  	s17 =	smul.u32 $0x500, s17;
	_ =	strace $0x8000004D;
	s6 =	ssub.s32 $0x2, s3  }
0x9: {  	s13 =	smul.u32 $0x13C000, s3;
	p0 =	seq.s32 s3, $0x0;
	s7 =	sshrl.u32 s6, $0x1  }
0xa: {  	s5 =	sshrl.u32 s5, $0x2;
	s11 =	sadd.s32 $0x4000, s9;
	s12 =	sadd.s32 $0x8000, s9  }
0xb: {  	s14 =	sadd.s32 $0xC000, s9;
	s16 =	sadd.s32 $0x10000, s9;
	s15 =	ssub.s32 s6, s7  }
0xc: {  	s5 =	sadd.s32 s5, s2;
	s6 =	sadd.s32 s11, s2;
	s7 =	sadd.s32 s12, s2  }
0xd: {  	s8 =	sadd.s32 s14, s2;
	s10 =	sadd.s32 s9, s13;
	s9 =	sadd.s32 s16, s2  }
0xe: {  	s21 =	sadd.s32 s13, s11;
	s22 =	sadd.s32 s13, s12;
	s23 =	sadd.s32 s13, s14  }
0xf: {  	s24 =	sadd.s32 s13, s16;
	s20 =	sshrl.u32 s10, $0x3;
	s12 =	sshrl.u32 s22, $0x3  }
0x10: {  	s25 =	sshrl.u32 s24, $0x3;
	s15 =	smax.u32 s15, $0x1;
	s22 =	simm.s32 $0x13C00  }
0x11: {  	s24 =	simm.s32 $0x80;
	s3 =	sadd.s32 s0, s20;
	s12 =	sadd.s32 s0, s12  }
0x12: {  	s20 =	sadd.s32 $0x5000, s17;
	s14 =	sadd.s32 s0, s25;
	s25 =	simm.s32 $0x13C80  }
0x13: {  	[dreg:$0x4] =	wrdreg s3;
	s3 =	sshrl.u32 s21, $0x3;
	s20 =	smov.u32 @p0 s17  }
0x14: {  	s21 =	simm.s32 $0x3;
	s11 =	sadd.s32 s0, s3;
	s3 =	sshrl.u32 s23, $0x3  }
0x15: {  	s26 =	sadd.s32 $0x280, s20;
	s16 =	sadd.s32 s18, s20;
	s17 =	sadd.s32 s19, s20  }
0x16: {  	s20 =	simm.s32 $0x16400;
	s23 =	simm.s32 $0x15000;
	s13 =	sadd.s32 s0, s3  }
0x17: {  	v0 =	vimm.f32 $0.0e+00;
	s18 =	sadd.s32 s18, s26;
	s19 =	sadd.s32 s19, s26;
	s26 =	simm.s32 $0x1A400  }
.LBB2_1:
0x18: {  	s0 =	simm.s32 $0x0;
	s3 =	simm.s32 $0x200  }
.LBB2_2:
0x19: {  	p0 =	sne.s32 s3, $0xFE00;
	[tilespmem:s0+$0x16470] =	vst v0  }
0x1a: {  	[tilespmem:s0+$0x16400] =	vst v0  }
0x1b: {  	[tilespmem:s0+$0x16410] =	vst v0  }
.Ltmp0:
0x1c: {  	[tilespmem:s0+$0x16420] =	vst v0;
	(pc) =	sbr.rel @p0 .LBB2_2-.Ltmp0, $4  }
0x1d: {  	[tilespmem:s0+$0x16430] =	vst v0  }
0x1e: {  	[tilespmem:s0+$0x16440] =	vst v0  }
0x1f: {  	[tilespmem:s0+$0x16450] =	vst v0  }
0x20: {  	[tilespmem:s0+$0x16460] =	vst v0;
	s0 =	sshra.s32 s3, $0x2;
	s3 =	sadd.s32 $0x200, s3  }
0x21: {  	[tilespmem:s0+$0x16470] =	vst v0  }
0x22: {  	[tilespmem:s0+$0x16400] =	vst v0  }
0x23: {  	[tilespmem:s0+$0x16410] =	vst v0  }
0x24: {  	[tilespmem:s0+$0x16420] =	vst v0  }
0x25: {  	[tilespmem:s0+$0x16430] =	vst v0  }
0x26: {  	[tilespmem:s0+$0x16440] =	vst v0  }
0x27: {  	[tilespmem:s0+$0x16450] =	vst v0  }
0x28: {  	[tilespmem:s0+$0x16460] =	vst v0  }
0x29: {  	[spmem:s5] =	stream.linear.scatter [tilespmem:s20], [sflag:$0x3], $0x4000, $0x38;
	[tilespmem:$0x1E400] =	vst v63  }
0x2a: {  	_ =	swait.ge [sflag:s21], $0x4000  }
0x2b: {  	[sflag:s21] =	ssyncset.done $0x0  }
0x2c: {  	[sflag:s21] =	ssyncadd.s32 $0xFFFFC000  }
0x2d: {  	[spmem:s6] =	stream.linear.scatter [tilespmem:s20], [sflag:$0x3], $0x4000, $0x38;
	[tilespmem:$0x1E400] =	vst v63  }
0x2e: {  	_ =	swait.ge [sflag:s21], $0x4000  }
0x2f: {  	[sflag:s21] =	ssyncset.done $0x0  }
0x30: {  	[sflag:s21] =	ssyncadd.s32 $0xFFFFC000  }
0x31: {  	[spmem:s7] =	stream.linear.scatter [tilespmem:s20], [sflag:$0x3], $0x4000, $0x38;
	[tilespmem:$0x1E400] =	vst v63  }
0x32: {  	_ =	swait.ge [sflag:s21], $0x4000  }
0x33: {  	[sflag:s21] =	ssyncset.done $0x0  }
0x34: {  	[sflag:s21] =	ssyncadd.s32 $0xFFFFC000  }
0x35: {  	[spmem:s8] =	stream.linear.scatter [tilespmem:s20], [sflag:$0x3], $0x4000, $0x38;
	[tilespmem:$0x1E400] =	vst v63  }
0x36: {  	_ =	swait.ge [sflag:s21], $0x4000  }
0x37: {  	[sflag:s21] =	ssyncset.done $0x0  }
0x38: {  	[sflag:s21] =	ssyncadd.s32 $0xFFFFC000  }
0x39: {  	[spmem:s9] =	stream.linear.scatter [tilespmem:s20], [sflag:$0x3], $0x3C00, $0x38;
	[tilespmem:$0x1E400] =	vst v63  }
0x3a: {  	_ =	swait.ge [sflag:s21], $0x3C00  }
0x3b: {  	[sflag:s21] =	ssyncset.done $0x0  }
0x3c: {  	[sflag:s21] =	ssyncadd.s32 $0xFFFFC400  }
0x3d: {  	s3 =	simm.s32 $0x0;
	[bflag:$0x0] =	sbarrier.arrive $0xFFFF  }
0x3e: {  	[tilespmem:s22], [sflag:$0x3] =	stream.linear.gather [hbm4b:s16+s3], $0x1400, $0x38;
	[tilespmem:$0x1E400] =	vst v63  }
0x3f: {  	_ =	swait.ge [sflag:s21], $0x1400  }
0x40: {  	[sflag:s21] =	ssyncset.done $0x0  }
0x41: {  	[sflag:s21] =	ssyncadd.s32 $0xFFFFEC00  }
0x42: {  	[tilespmem:s23], [sflag:$0x3] =	stream.linear.gather [hbm4b:s17+s3], $0x1400, $0x38;
	[tilespmem:$0x1E400] =	vst v63  }
0x43: {  	_ =	swait.ge [sflag:s21], $0x1400  }
0x44: {  	[sflag:s21] =	ssyncset.done $0x0  }
0x45: {  	[sflag:s21] =	ssyncadd.s32 $0xFFFFEC00  }
0x46: {  	[tilespmem:s20], [sflag:$0x1] =	stream.indirect.gather [hbm4b:s1+s24], $0x80, s22, s24, $0xb8;
	[tilespmem:$0x1E400] =	vst v63  }
0x47: {  	_ = 	snop  }
0x48: {  	[tilespmem:s26], [sflag:$0x2] =	stream.indirect.gather [hbm4b:s1+s24], $0x80, s25, s24, $0xb8;
	[tilespmem:$0x1E400] =	vst v63  }
0x49: {  	_ =	swait.ge [sflag:s28], $0x4000  }
0x4a: {  	[sflag:s28] =	ssyncset.done $0x0  }
0x4b: {  	s10 =	simm.s32 $0x15000;
	[sflag:s28] =	ssyncadd.s32 $0xFFFFC000  }
0x4c: {  	[spmem:s2] =	stream.indirect.scatter.add.f32 [tilespmem:s20], [sflag:$0x3], $0x80, s10, s24, $0xb8;
	[tilespmem:$0x1E400] =	vst v63  }
0x4d: {  	_ =	swait.ge [sflag:s21], $0x4000  }
0x4e: {  	[sflag:s21] =	ssyncset.done $0x0  }
0x4f: {  	s3 =	simm.s32 $0x13D00;
	[sflag:s21] =	ssyncadd.s32 $0xFFFFC000  }
0x50: {  	[tilespmem:s20], [sflag:$0x1] =	stream.indirect.gather [hbm4b:s1+s24], $0x80, s3, s24, $0xb8;
	[tilespmem:$0x1E400] =	vst v63  }
0x51: {  	_ =	swait.ge [sflag:s29], $0x4000  }
0x52: {  	[sflag:s29] =	ssyncset.done $0x0  }
0x53: {  	s10 =	simm.s32 $0x15080;
	[sflag:s29] =	ssyncadd.s32 $0xFFFFC000  }
0x54: {  	[spmem:s2] =	stream.indirect.scatter.add.f32 [tilespmem:s26], [sflag:$0x3], $0x80, s10, s24, $0xb8;
	[tilespmem:$0x1E400] =	vst v63  }
0x55: {  	_ =	swait.ge [sflag:s21], $0x4000  }
0x56: {  	[sflag:s21] =	ssyncset.done $0x0  }
0x57: {  	s0 =	simm.s32 $0x400;
	s3 =	simm.s32 $0x13D80;
	[sflag:s21] =	ssyncadd.s32 $0xFFFFC000  }
.LBB2_4:
0x58: {  	[tilespmem:s26], [sflag:$0x2] =	stream.indirect.gather [hbm4b:s1+s24], $0x80, s3, s24, $0xb8;
	[tilespmem:$0x1E400] =	vst v63  }
0x59: {  	s3 =	smov.u32 s0  }
0x5a: {  	p0 =	sne.s32 s0, $0x4800;
	s0 =	sadd.s32 $0x400, s0;
	_ =	swait.ge [sflag:s28], $0x4000  }
0x5b: {  	s3 =	sshra.s32 s3, $0x2;
	[sflag:s28] =	ssyncset.done $0x0  }
0x5c: {  	s10 =	sadd.s32 $0x15000, s3;
	[sflag:s28] =	ssyncadd.s32 $0xFFFFC000  }
0x5d: {  	[spmem:s2] =	stream.indirect.scatter.add.f32 [tilespmem:s20], [sflag:$0x3], $0x80, s10, s24, $0xb8;
	[tilespmem:$0x1E400] =	vst v63  }
0x5e: {  	_ =	swait.ge [sflag:s21], $0x4000  }
0x5f: {  	[sflag:s21] =	ssyncset.done $0x0  }
0x60: {  	s10 =	sadd.s32 $0x13D00, s3;
	[sflag:s21] =	ssyncadd.s32 $0xFFFFC000  }
0x61: {  	[tilespmem:s20], [sflag:$0x1] =	stream.indirect.gather [hbm4b:s1+s24], $0x80, s10, s24, $0xb8;
	[tilespmem:$0x1E400] =	vst v63  }
0x62: {  	_ =	swait.ge [sflag:s29], $0x4000  }
0x63: {  	[sflag:s29] =	ssyncset.done $0x0  }
.Ltmp1:
0x64: {  	s10 =	sadd.s32 $0x15080, s3;
	[sflag:s29] =	ssyncadd.s32 $0xFFFFC000;
	(pc) =	sbr.rel @p0 .LBB2_4-.Ltmp1, $4  }
0x65: {  	[spmem:s2] =	stream.indirect.scatter.add.f32 [tilespmem:s26], [sflag:$0x3], $0x80, s10, s24, $0xb8;
	[tilespmem:$0x1E400] =	vst v63  }
0x66: {  	_ =	swait.ge [sflag:s21], $0x4000  }
0x67: {  	[sflag:s21] =	ssyncset.done $0x0  }
0x68: {  	s3 =	sadd.s32 $0x13D80, s3;
	[sflag:s21] =	ssyncadd.s32 $0xFFFFC000  }
0x69: {  	[tilespmem:s26], [sflag:$0x2] =	stream.indirect.gather [hbm4b:s1+s24], $0x80, s3, s24, $0xb8;
	[tilespmem:$0x1E400] =	vst v63  }
0x6a: {  	_ =	swait.ge [sflag:s28], $0x4000  }
0x6b: {  	[sflag:s28] =	ssyncset.done $0x0  }
0x6c: {  	[sflag:s28] =	ssyncadd.s32 $0xFFFFC000  }
0x6d: {  	[spmem:s2] =	stream.indirect.scatter.add.f32 [tilespmem:s20], [sflag:$0x3], $0x80, s30, s24, $0xb8;
	[tilespmem:$0x1E400] =	vst v63  }
0x6e: {  	_ =	swait.ge [sflag:s21], $0x4000  }
0x6f: {  	[sflag:s21] =	ssyncset.done $0x0  }
0x70: {  	[sflag:s21] =	ssyncadd.s32 $0xFFFFC000  }
0x71: {  	_ =	swait.ge [sflag:s29], $0x4000  }
0x72: {  	[sflag:s29] =	ssyncset.done $0x0  }
0x73: {  	[sflag:s29] =	ssyncadd.s32 $0xFFFFC000  }
0x74: {  	[spmem:s2] =	stream.indirect.scatter.add.f32 [tilespmem:s26], [sflag:$0x3], $0x80, s31, s24, $0xb8;
	[tilespmem:$0x1E400] =	vst v63  }
0x75: {  	_ =	swait.ge [sflag:s21], $0x4000  }
0x76: {  	[sflag:s21] =	ssyncset.done $0x0  }
0x77: {  	s0 =	simm.s32 $0x0;
	[sflag:s21] =	ssyncadd.s32 $0xFFFFC000  }
0x78: {  	[tilespmem:s22], [sflag:$0x3] =	stream.linear.gather [hbm4b:s18+s0], $0x1400, $0x38;
	[tilespmem:$0x1E400] =	vst v63  }
0x79: {  	_ =	swait.ge [sflag:s21], $0x1400  }
0x7a: {  	[sflag:s21] =	ssyncset.done $0x0  }
0x7b: {  	[sflag:s21] =	ssyncadd.s32 $0xFFFFEC00  }
0x7c: {  	[tilespmem:s23], [sflag:$0x3] =	stream.linear.gather [hbm4b:s19+s0], $0x1400, $0x38;
	[tilespmem:$0x1E400] =	vst v63  }
0x7d: {  	_ =	swait.ge [sflag:s21], $0x1400  }
0x7e: {  	[sflag:s21] =	ssyncset.done $0x0  }
0x7f: {  	[sflag:s21] =	ssyncadd.s32 $0xFFFFEC00  }
0x80: {  	[tilespmem:s20], [sflag:$0x1] =	stream.indirect.gather [hbm4b:s1+s24], $0x80, s22, s24, $0xb8;
	[tilespmem:$0x1E400] =	vst v63  }
0x81: {  	_ = 	snop  }
0x82: {  	[tilespmem:s26], [sflag:$0x2] =	stream.indirect.gather [hbm4b:s1+s24], $0x80, s25, s24, $0xb8;
	[tilespmem:$0x1E400] =	vst v63  }
0x83: {  	_ =	swait.ge [sflag:s28], $0x4000  }
0x84: {  	[sflag:s28] =	ssyncset.done $0x0  }
0x85: {  	s10 =	simm.s32 $0x15000;
	[sflag:s28] =	ssyncadd.s32 $0xFFFFC000  }
0x86: {  	[spmem:s2] =	stream.indirect.scatter.add.f32 [tilespmem:s20], [sflag:$0x3], $0x80, s10, s24, $0xb8;
	[tilespmem:$0x1E400] =	vst v63  }
0x87: {  	_ =	swait.ge [sflag:s21], $0x4000  }
0x88: {  	[sflag:s21] =	ssyncset.done $0x0  }
0x89: {  	s3 =	simm.s32 $0x13D00;
	[sflag:s21] =	ssyncadd.s32 $0xFFFFC000  }
0x8a: {  	[tilespmem:s20], [sflag:$0x1] =	stream.indirect.gather [hbm4b:s1+s24], $0x80, s3, s24, $0xb8;
	[tilespmem:$0x1E400] =	vst v63  }
0x8b: {  	_ =	swait.ge [sflag:s29], $0x4000  }
0x8c: {  	[sflag:s29] =	ssyncset.done $0x0  }
0x8d: {  	s10 =	simm.s32 $0x15080;
	[sflag:s29] =	ssyncadd.s32 $0xFFFFC000  }
0x8e: {  	[spmem:s2] =	stream.indirect.scatter.add.f32 [tilespmem:s26], [sflag:$0x3], $0x80, s10, s24, $0xb8;
	[tilespmem:$0x1E400] =	vst v63  }
0x8f: {  	_ =	swait.ge [sflag:s21], $0x4000  }
0x90: {  	[sflag:s21] =	ssyncset.done $0x0  }
0x91: {  	s0 =	simm.s32 $0x400;
	s3 =	simm.s32 $0x13D80;
	[sflag:s21] =	ssyncadd.s32 $0xFFFFC000  }
.LBB2_6:
0x92: {  	[tilespmem:s26], [sflag:$0x2] =	stream.indirect.gather [hbm4b:s1+s24], $0x80, s3, s24, $0xb8;
	[tilespmem:$0x1E400] =	vst v63  }
0x93: {  	s3 =	smov.u32 s0  }
0x94: {  	p0 =	sne.s32 s0, $0x4800;
	s0 =	sadd.s32 $0x400, s0;
	_ =	swait.ge [sflag:s28], $0x4000  }
0x95: {  	s3 =	sshra.s32 s3, $0x2;
	[sflag:s28] =	ssyncset.done $0x0  }
0x96: {  	s10 =	sadd.s32 $0x15000, s3;
	[sflag:s28] =	ssyncadd.s32 $0xFFFFC000  }
0x97: {  	[spmem:s2] =	stream.indirect.scatter.add.f32 [tilespmem:s20], [sflag:$0x3], $0x80, s10, s24, $0xb8;
	[tilespmem:$0x1E400] =	vst v63  }
0x98: {  	_ =	swait.ge [sflag:s21], $0x4000  }
0x99: {  	[sflag:s21] =	ssyncset.done $0x0  }
0x9a: {  	s10 =	sadd.s32 $0x13D00, s3;
	[sflag:s21] =	ssyncadd.s32 $0xFFFFC000  }
0x9b: {  	[tilespmem:s20], [sflag:$0x1] =	stream.indirect.gather [hbm4b:s1+s24], $0x80, s10, s24, $0xb8;
	[tilespmem:$0x1E400] =	vst v63  }
0x9c: {  	_ =	swait.ge [sflag:s29], $0x4000  }
0x9d: {  	[sflag:s29] =	ssyncset.done $0x0  }
.Ltmp2:
0x9e: {  	s10 =	sadd.s32 $0x15080, s3;
	[sflag:s29] =	ssyncadd.s32 $0xFFFFC000;
	(pc) =	sbr.rel @p0 .LBB2_6-.Ltmp2, $4  }
0x9f: {  	[spmem:s2] =	stream.indirect.scatter.add.f32 [tilespmem:s26], [sflag:$0x3], $0x80, s10, s24, $0xb8;
	[tilespmem:$0x1E400] =	vst v63  }
0xa0: {  	_ =	swait.ge [sflag:s21], $0x4000  }
0xa1: {  	[sflag:s21] =	ssyncset.done $0x0  }
0xa2: {  	s3 =	sadd.s32 $0x13D80, s3;
	[sflag:s21] =	ssyncadd.s32 $0xFFFFC000  }
0xa3: {  	[tilespmem:s26], [sflag:$0x2] =	stream.indirect.gather [hbm4b:s1+s24], $0x80, s3, s24, $0xb8;
	[tilespmem:$0x1E400] =	vst v63  }
0xa4: {  	_ =	swait.ge [sflag:s28], $0x4000  }
0xa5: {  	[sflag:s28] =	ssyncset.done $0x0  }
0xa6: {  	[sflag:s28] =	ssyncadd.s32 $0xFFFFC000  }
0xa7: {  	[spmem:s2] =	stream.indirect.scatter.add.f32 [tilespmem:s20], [sflag:$0x3], $0x80, s30, s24, $0xb8;
	[tilespmem:$0x1E400] =	vst v63  }
0xa8: {  	_ =	swait.ge [sflag:s21], $0x4000  }
0xa9: {  	[sflag:s21] =	ssyncset.done $0x0  }
0xaa: {  	[sflag:s21] =	ssyncadd.s32 $0xFFFFC000  }
0xab: {  	_ =	swait.ge [sflag:s29], $0x4000  }
0xac: {  	[sflag:s29] =	ssyncset.done $0x0  }
0xad: {  	[sflag:s29] =	ssyncadd.s32 $0xFFFFC000  }
0xae: {  	[spmem:s2] =	stream.indirect.scatter.add.f32 [tilespmem:s26], [sflag:$0x3], $0x80, s31, s24, $0xb8;
	[tilespmem:$0x1E400] =	vst v63  }
0xaf: {  	_ =	swait.ge [sflag:s21], $0x4000  }
0xb0: {  	[sflag:s21] =	ssyncset.done $0x0  }
0xb1: {  	s0 =	stileid.u32;
	[sflag:s21] =	ssyncadd.s32 $0xFFFFC000  }
0xb2: {  	s0 =	sshll.u32 s0, $0x6;
	[bflag:$0x0] =	sbarrier.arrive $0xFFFF  }
0xb3: {  	s3 =	sshrl.u32 s5, $0x3;
	s0 =	sor.u32 $0x1C03, s0;
	s10 =	rddreg [dreg:$0x4]  }
0xb4: {  	[hbm:s10], [sflag:s0] =	dma.local [spmem:s3], $0x800  }
0xb5: {  	_ =	swait.ge [sflag:s21], $0x800  }
0xb6: {  	[sflag:s21] =	ssyncset.done $0x0  }
0xb7: {  	s10 =	sshrl.u32 s6, $0x3;
	[sflag:s21] =	ssyncadd.s32 $0xFFFFF800  }
0xb8: {  	[hbm:s11], [sflag:s0] =	dma.local [spmem:s10], $0x800  }
0xb9: {  	_ =	swait.ge [sflag:s21], $0x800  }
0xba: {  	[sflag:s21] =	ssyncset.done $0x0  }
0xbb: {  	s10 =	sshrl.u32 s7, $0x3;
	[sflag:s21] =	ssyncadd.s32 $0xFFFFF800  }
0xbc: {  	[hbm:s12], [sflag:s0] =	dma.local [spmem:s10], $0x800  }
0xbd: {  	_ =	swait.ge [sflag:s21], $0x800  }
0xbe: {  	[sflag:s21] =	ssyncset.done $0x0  }
0xbf: {  	s10 =	sshrl.u32 s8, $0x3;
	[sflag:s21] =	ssyncadd.s32 $0xFFFFF800  }
0xc0: {  	[hbm:s13], [sflag:s0] =	dma.local [spmem:s10], $0x800  }
0xc1: {  	s4 =	sadd.s32 $0x1, s4;
	_ =	swait.ge [sflag:s21], $0x800  }
0xc2: {  	p0 =	sne.s32 s4, s15;
	[sflag:s21] =	ssyncset.done $0x0  }
.Ltmp3:
0xc3: {  	s10 =	sshrl.u32 s9, $0x3;
	[sflag:s21] =	ssyncadd.s32 $0xFFFFF800;
	(pc) =	sbr.rel @p0 .LBB2_1-.Ltmp3, $4  }
0xc4: {  	[hbm:s14], [sflag:s0] =	dma.local [spmem:s10], $0x780  }
0xc5: {  	_ =	swait.ge [sflag:s21], $0x780  }
0xc6: {  	[sflag:s21] =	ssyncset.done $0x0  }
0xc7: {  	[sflag:s21] =	ssyncadd.s32 $0xFFFFF880  }
0xc8: {  	_ =	sfence.sel $0x180000  }
0xc9: {  	[bflag:$0x0] =	sbarrier.arrive $0xFFFF  }
0xca: {  	_ =	strace $0x9000004D  }
0xcb: {  	s0 =	stileid.u32;
	[bflag:$0x2] =	sbarrier.arrive $0xFFFF  }
0xcc: {  	p0 =	sne.s32 s0, $0x0;
	s0 =	rddreg [dreg:$0x3]  }
0xcd: {  	s0 =	sadd.s32 @!p0 $0x100000, s0  }
0xce: {  	[sflag:s0] =	ssyncadd.tile.s32 @!p0 $0x1;
	_ =	shalt  }
.Lfunc_end2:
_tile_overlayer_lowered:
.L_overlay_start_2:
0xcf: {  	(tag) =	ssettag $0x2  }
0xd0: {  	s0 =	rddreg [dreg:$0x0];
	s2 =	stileid.u32  }
0xd1: {  	s1 =	rddreg [dreg:$0x1];
	p0 =	sne.s32 s2, $0x0  }
0xd2: {  	s3 =	rddreg [dreg:$0x2];
	[bflag:$0x3] =	sbarrier.arrive $0xFFFF;
	s2 =	simm.s32 @!p0 $0x1C03  }
0xd3: {  	[timem:s3], [sflag:s2] =	dma.local @!p0 [hbm:s0], s1  }
0xd4: {  	s0 =	simm.s32 @!p0 $0x3  }
0xd5: {  	_ =	swait.ge @!p0 [sflag:s0], s1  }
0xd6: {  	s1 =	ssub.s32 @!p0 $0x0, s1;
	[sflag:s0] =	ssyncset.done @!p0 $0x0  }
0xd7: {  	[sflag:s0] =	ssyncadd.s32 @!p0 s1  }
0xd8: {  	[bflag:$0x3] =	sbarrier.arrive $0xFFFF  }
0xd9: {  	_ =	shalt  }

// kernel: kernel.8.cloned.1.call-start
scs
__scs_entry_jumppad:
0x0: {  	(pc) =	sbr.rel $0x88, $3  }
0x1: {  	(tag) =	ssettag $0x0;
	lr =	simm.s32 $0x1  }
0x2: {  	[smem:$0x3F9B] =	sst lr;
	_ =	strace $0xD0000000  }
0x3: {  	_ = 	snop  }
0x4: {  	_ = 	snop  }
0x5: {  	_ = 	snop  }
0x6: {  	_ = 	snop  }
0x7: {  	_ = 	snop  }
__scs_overlays_trampoline_lowered:
0x8: {  	[smem:$0x3FAA] =	sst s0  }
0x9: {  	[smem:$0x3FAB] =	sst s1  }
0xa: {  	[smem:$0x3FAC] =	sst s2  }
0xb: {  	[smem:$0x3FAD] =	sst s3  }
0xc: {  	[smem:$0x3FAE] =	sst s4  }
0xd: {  	[smem:$0x3FAF] =	sst s5  }
0xe: {  	[smem:$0x3FB0] =	sst s6  }
0xf: {  	[smem:$0x3FB1] =	sst s7  }
0x10: {  	[smem:$0x3FB2] =	sst s8  }
0x11: {  	[smem:$0x3FB3] =	sst s9;
	s0 =	simm.s32 @!p0 $0x0  }
0x12: {  	s1 =	sld [smem:$0x3F99];
	s0 =	simm.s32 @p0 $0x1  }
0x13: {  	[smem:$0x3FB4] =	sst s0;
	s0 =	simm.s32 @!p1 $0x0  }
0x14: {  	s2 =	sld [smem:$0x3F98];
	s0 =	simm.s32 @p1 $0x1  }
0x15: {  	[smem:$0x3FB5] =	sst s0;
	s0 =	simm.s32 @!p2 $0x0  }
0x16: {  	s3 =	sld [smem:$0x3FDB];
	s0 =	simm.s32 @p2 $0x1  }
0x17: {  	s4 =	simm.s32 $0x1BF5;
	[smem:$0x3FB7] =	sst s0  }
0x18: {  	s0 =	sld [smem:$0x3F9A];
	_ =	swait.ge [sflag:s4], $0x0  }
0x19: {  	s7 =	sld [smem:$0x3F9B]  }
0x1a: {  	s8 =	sadd.s32 $0xFFFFE003, lr  }
0x1b: {  	s9 =	sadd.s32 $0xFFFFFEF7, lr;
	s5 =	simm.s32 $0xFFFFFFFF;
	p2 =	slt.u32 s8, $0xFFFFF086  }
0x1c: {  	p1 =	slt.u32 s9, $0xF7A;
	s5 =	simm.s32 @!p2 $0x0  }
0x1d: {  	s5 =	simm.s32 @p1 $0x1;
	p0 =	seq.s32 s7, s2  }
0x1e: {  	s7 =	smul.u32 @!p0 $0xF7A, s2;
	p2 =	seq.s32 @!p0 s5, $0x0  }
0x1f: {  	s9 =	smul.u32 $0xF7A, s1;
	s8 =	simm.s32 @!p0 $0x1BF5;
	p2 =	por !p2, p0  }
0x20: {  	[sflag:s8] =	ssyncset.s32 @!p0 $0xFFFFF086;
	s6 =	sadd.s32 @!p0 s3, s7;
	s7 =	simm.s32 @!p0 $0x108  }
0x21: {  	s3 =	sadd.s32 s3, s9;
	s6 =	sadd.s32 @!p0 $0x88, s6;
	s7 =	simm.s32 @p2 $0x1082  }
0x22: {  	[simem:s7], [sflag:s8] =	dma.local @!p0 [hbm:s6], $0xF7A  }
0x23: {  	s9 =	sor.u32 $0xD0000000, s2;
	s6 =	simm.s32 $0x108;
	_ =	swait.ge @!p0 [sflag:s8], $0x0  }
0x24: {  	s3 =	sadd.s32 $0x88, s3;
	s6 =	simm.s32 @!p1 $0x1082;
	[sflag:s4] =	ssyncset.s32 $0xFFFFF086  }
0x25: {  	[simem:s6], [sflag:s4] =	dma.local [hbm:s3], $0xF7A  }
0x26: {  	[smem:$0x3F9B] =	sst s1;
	(tag) =	ssettag s2;
	_ =	strace s9  }
0x27: {  	s1 =	sld [smem:$0x3FAB]  }
0x28: {  	s2 =	sld [smem:$0x3FAC]  }
0x29: {  	s4 =	sld [smem:$0x3FAE]  }
0x2a: {  	p0 =	seq.s32 s5, $0x0;
	s5 =	sld [smem:$0x3FAF]  }
0x2b: {  	s6 =	sld [smem:$0x3FB0]  }
0x2c: {  	s7 =	sld [smem:$0x3FB1]  }
0x2d: {  	s3 =	simm.s32 $0x108;
	s8 =	sld [smem:$0x3FB2]  }
0x2e: {  	s3 =	simm.s32 @!p0 $0x1082;
	s9 =	sld [smem:$0x3FB3]  }
0x2f: {  	lr =	sadd.s32 s0, s3;
	s0 =	sld [smem:$0x3FAA]  }
0x30: {  	s3 =	sld [smem:$0x3FAD]  }
0x31: {  	[smem:$0x3FB6] =	sst s10  }
0x32: {  	s10 =	sld [smem:$0x3FB4];
	_ =	sdelay $0x3  }
0x33: {  	p0 =	seq.s32 s10, $0x1;
	s10 =	sld [smem:$0x3FB6];
	_ =	sdelay $0x3  }
0x34: {  	[smem:$0x3FB6] =	sst s10  }
0x35: {  	s10 =	sld [smem:$0x3FB5];
	_ =	sdelay $0x3  }
0x36: {  	p1 =	seq.s32 s10, $0x1;
	s10 =	sld [smem:$0x3FB6];
	_ =	sdelay $0x3  }
0x37: {  	[smem:$0x3FB6] =	sst s10  }
0x38: {  	s10 =	sld [smem:$0x3FB7]  }
0x39: {  	_ = 	snop;
	(pc) =	sbr.ind lr, $3  }
0x3a: {  	_ = 	snop  }
0x3b: {  	_ = 	snop  }
0x3c: {  	p2 =	seq.s32 s10, $0x1;
	s10 =	sld [smem:$0x3FB6]  }
0x3d: {  	_ =	shalt  }
0x3e: {  	_ =	shalt  }
0x3f: {  	_ =	shalt  }
0x40: {  	_ =	shalt  }
0x41: {  	_ =	shalt  }
0x42: {  	_ =	shalt  }
0x43: {  	_ =	shalt  }
0x44: {  	_ =	shalt  }
0x45: {  	_ =	shalt  }
0x46: {  	_ =	shalt  }
0x47: {  	_ =	shalt  }
0x48: {  	_ =	shalt  }
0x49: {  	_ =	shalt  }
0x4a: {  	_ =	shalt  }
0x4b: {  	_ =	shalt  }
0x4c: {  	_ =	shalt  }
0x4d: {  	_ =	shalt  }
0x4e: {  	_ =	shalt  }
0x4f: {  	_ =	shalt  }
0x50: {  	_ =	shalt  }
0x51: {  	_ =	shalt  }
0x52: {  	_ =	shalt  }
0x53: {  	_ =	shalt  }
0x54: {  	_ =	shalt  }
0x55: {  	_ =	shalt  }
0x56: {  	_ =	shalt  }
0x57: {  	_ =	shalt  }
0x58: {  	_ =	shalt  }
0x59: {  	_ =	shalt  }
0x5a: {  	_ =	shalt  }
0x5b: {  	_ =	shalt  }
0x5c: {  	_ =	shalt  }
0x5d: {  	_ =	shalt  }
0x5e: {  	_ =	shalt  }
0x5f: {  	_ =	shalt  }
0x60: {  	_ =	shalt  }
0x61: {  	_ =	shalt  }
0x62: {  	_ =	shalt  }
0x63: {  	_ =	shalt  }
0x64: {  	_ =	shalt  }
0x65: {  	_ =	shalt  }
0x66: {  	_ =	shalt  }
0x67: {  	_ =	shalt  }
0x68: {  	_ =	shalt  }
0x69: {  	_ =	shalt  }
0x6a: {  	_ =	shalt  }
0x6b: {  	_ =	shalt  }
0x6c: {  	_ =	shalt  }
0x6d: {  	_ =	shalt  }
0x6e: {  	_ =	shalt  }
0x6f: {  	_ =	shalt  }
0x70: {  	_ =	shalt  }
0x71: {  	_ =	shalt  }
0x72: {  	_ =	shalt  }
0x73: {  	_ =	shalt  }
0x74: {  	_ =	shalt  }
0x75: {  	_ =	shalt  }
0x76: {  	_ =	shalt  }
0x77: {  	_ =	shalt  }
0x78: {  	_ =	shalt  }
0x79: {  	_ =	shalt  }
0x7a: {  	_ =	shalt  }
0x7b: {  	_ =	shalt  }
0x7c: {  	_ =	shalt  }
0x7d: {  	_ =	shalt  }
0x7e: {  	_ =	shalt  }
0x7f: {  	_ =	shalt  }
0x80: {  	_ =	shalt  }
0x81: {  	_ =	shalt  }
0x82: {  	_ =	shalt  }
0x83: {  	_ =	shalt  }
0x84: {  	_ =	shalt  }
0x85: {  	_ =	shalt  }
0x86: {  	_ =	shalt  }
0x87: {  	_ =	shalt  }
.Lfunc_end0:
.L_simem_size_0:
called_computation_lowered:
.L_overlay_start_0:
0x88: {  	s2 =	sld [smem:$0x3FD9]  }
0x89: {  	s3 =	sld [smem:$0x3FFE];
	_ =	sdelay $0x1  }
0x8a: {  	s1 =	srdreg.scid  }
0x8b: {  	s0 =	sand.u32 $0x1, s1  }
0x8c: {  	s17 =	sshll.u32 s0, $0xA;
	s2 =	sadd.s32 s3, s2  }
0x8d: {  	s2 =	sadd.s32 s2, s17  }
0x8e: {  	[smem:$0x3FC2] =	sst s2  }
0x8f: {  	_ = 	snop  }
0x90: {  	s2 =	sld [smem:$0x3FD0];
	(tm) =	ssettm $0x1  }
0x91: {  	s18 =	sld [smem:$0x3FFB];
	_ =	sdelay $0x3  }
0x92: {  	_ =	strace s18  }
0x93: {  	s3 =	sld [smem:$0x3FFC];
	_ =	sdelay $0x3  }
0x94: {  	_ =	strace s3  }
0x95: {  	s3 =	sld [smem:$0x3FFD];
	_ =	sdelay $0x3  }
0x96: {  	_ =	strace s3  }
0x97: {  	_ =	strace $0x8FFFFFFF  }
0x98: {  	s19 =	sld [smem:$0x3FDB];
	_ =	sdelay $0x1  }
0x99: {  	s4 =	simm.s32 $_scs_section_size  }
0x9a: {  	s5 =	simm.s32 $_size__tile_overlayer_lowered;
	s6 =	simm.s32 $_tile_overlayer_lowered  }
0x9b: {  	s22 =	simm.s32 $0x1BFF;
	s21 =	sshll.u32 s6, $0x1;
	s3 =	sadd.s32 s4, s19  }
0x9c: {  	s7 =	simm.s32 $0x0;
	s20 =	sshll.u32 s5, $0x1;
	s5 =	sadd.s32 s21, s3  }
0x9d: {  	[timem:s7], [sflag:s22] =	dma.local [hbm:s5], s20  }
0x9e: {  	_ =	swait.ge [sflag:s22], s20  }
0x9f: {  	s4 =	ssub.s32 $0x0, s20;
	[sflag:s22] =	ssyncset.done $0x0  }
0xa0: {  	[sflag:s22] =	ssyncadd.s32 s4;
	_ =	sdelay $0x1  }
0xa1: {  	s23 =	simm.s32 $0x1B8B  }
0xa2: {  	_ =	swait.ge [sflag:s23], $0x1  }
0xa3: {  	[sflag:s23] =	ssyncset.done $0x0  }
0xa4: {  	s25 =	simm.s32 $0x1B8E;
	s24 =	sld [smem:$0x3FFE];
	[sflag:s23] =	ssyncadd.s32 $0xFFFFFFFF  }
0xa5: {  	s26 =	simm.s32 $execute0_lowered;
	[smem:$0x3FD2] =	sst s25  }
0xa6: {  	s5 =	sshll.u32 s26, $0x1;
	_ =	strace $0x80000046;
	[dreg:$0x1] =	wrdreg $0xFFFFFFFF  }
0xa7: {  	s28 =	simm.s32 $_size_execute0_lowered;
	s3 =	sadd.s32 s3, s5;
	[dreg:$0x0] =	wrdreg $0x0  }
0xa8: {  	s5 =	sshll.u32 s28, $0x1;
	[dreg:$0x2] =	wrdreg s3  }
0xa9: {  	[dreg:$0x3] =	wrdreg s5  }
0xaa: {  	[dreg:$0x4] =	wrdreg $0xC0  }
0xab: {  	_ =	task [dreg:s7], $0x5FFFF  }
0xac: {  	[dreg:$0x1] =	wrdreg $0xFFFFFFFF  }
0xad: {  	[dreg:$0x0] =	wrdreg $0x60  }
0xae: {  	[dreg:$0x2] =	wrdreg s2  }
0xaf: {  	[dreg:$0x3] =	wrdreg s24  }
0xb0: {  	[dreg:$0x4] =	wrdreg $0x9  }
0xb1: {  	_ =	task.clear_ibuf [dreg:s7], $0x5FFFF;
	_ =	strace $0x90000046  }
0xb2: {  	s29 =	simm.s32 $0x9;
	_ =	strace $0x80000048  }
0xb3: {  	_ =	swait.ge [sflag:s29], $0x1  }
0xb4: {  	[sflag:s29] =	ssyncadd.s32 $0xFFFFFFFF  }
0xb5: {  	_ =	strace $0x90000048  }
0xb6: {  	_ =	sfence  }
0xb7: {  	s30 =	sld [smem:$0x0];
	_ =	sdelay $0x2  }
0xb8: {  	s31 =	sshll.u32 s1, $0xD;
	s1 =	sshrl.u32 s1, $0x2  }
0xb9: {  	s3 =	sand.u32 $0x4000, s31;
	s1 =	sadd.s32 s1, s30  }
0xba: {  	s0 =	sor.u32 s3, s0;
	s1 =	sshll.u32 s1, $0x11  }
0xbb: {  	s0 =	sor.u32 s1, s0  }
0xbc: {  	s0 =	sadd.s32 $0x8F2B, s0  }
0xbd: {  	[sflag:s0] =	ssyncadd.remote.s32 $0x1  }
0xbe: {  	_ =	sfence.sel $0xFFFF  }
0xbf: {  	[dreg:$0x0] =	wrdreg $0xFFFFFFFF;
	(pc) =	sbr.abs _section_cstart, $3  }
0xc0: {  	[dreg:$0x1] =	wrdreg $0xFFFFFFFF  }
0xc1: {  	_ =	task.clear_ibuf [dreg:s7], $0x2FFFF;
	_ =	strace $0x9FFFFFFF  }
0xc2: {  	(tm) =	ssettm $0x7FFFFFFF  }
0xc3: {  	_ =	shalt  }
tec
execute0_lowered:
.L_overlay_start_1:
0x0: {  	(tag) =	ssettag $0x1  }
0x1: {  	s3 =	rddreg [dreg:$0x0]  }
0x2: {  	s1 =	srdreg.scid;
	s0 =	stileid.u32  }
0x3: {  	s4 =	rddreg [dreg:$0x1];
	s5 =	sand.u32 $0x1, s1;
	s2 =	sshll.u32 s0, $0x1  }
0x4: {  	s1 =	rddreg [dreg:$0x2];
	s6 =	sor.u32 s5, s2  }
0x5: {  	s2 =	simm.s32 $0x0;
	s5 =	ssub.s32 $0x2, s5;
	s7 =	smul.u32 $0x4F0, s6  }
0x6: {  	[smem:$0x7FF] =	sst s2;
	s8 =	sshrl.u32 s5, $0x1;
	s6 =	smul.u32 $0x500, s6  }
0x7: {  	_ =	strace $0x80000047;
	s5 =	ssub.s32 s5, s8;
	s8 =	simm.s32 $0x0  }
0x8: {  	s4 =	sadd.s32 s7, s4;
	s3 =	sadd.s32 s3, s6;
	s5 =	smax.u32 s5, $0x1  }
0x9: {  	v0 =	vimm.f32 $0.0e+00;
	v1 =	vimm.f32 $1.000000000e+00;
	s6 =	simm.s32 $0x1;
	s7 =	simm.s32 $0x2800;
	s4 =	sadd.s32 $0x2200, s4  }
.LBB2_1:
0xa: {  	s9 =	simm.s32 $0x40;
	s10 =	simm.s32 $0x0  }
.LBB2_2:
0xb: {  	p0 =	sne.s32 s9, $0x9DC0;
	[tilespmem:s10+$0x2800] =	vst v0;
	s10 =	smov.u32 s9;
	s9 =	sadd.s32 $0x40, s9  }
.Ltmp0:
0xc: {  	(pc) =	sbr.rel @p0 .LBB2_2-.Ltmp0, $2  }
0xd: {  	_ =	sdelay $0x2  }
0xe: {  	s10 =	sshra.s32 s10, $0x2  }
0xf: {  	[tilespmem:s10+$0x2800] =	vst v0;
	s9 =	simm.s32 $0x0  }
0x10: {  	[tilespmem:s9], [sflag:$0x1] =	stream.linear.gather [hbm4b:s3+s9], $0x2800, $0x38;
	[tilespmem:$0x4F80] =	vst v63  }
0x11: {  	_ =	swait.ge [sflag:s6], $0x2800  }
0x12: {  	[sflag:s6] =	ssyncset.done $0x0  }
0x13: {  	s10 =	simm.s32 $0x0;
	s9 =	simm.s32 $0x40;
	[sflag:s6] =	ssyncadd.s32 $0xFFFFD800  }
.LBB2_4:
0x14: {  	p0 =	sne.s32 s9, $0x9FC0;
	v2 =	vld [tilespmem:s10+$0x0];
	_ =	sdelay $0x3  }
.Ltmp1:
0x15: {  	(pc) =	sbr.rel @p0 .LBB2_4-.Ltmp1, $2  }
0x16: {  	_ =	sdelay $0x2  }
0x17: {  	s10 =	sshra.s32 s9, $0x2;
	s9 =	sadd.s32 $0x40, s9;
	[tilespmem:v2+s7+$0x0] =	vst.idx.add.f32.msk $0xffff, v1  }
0x18: {  	v2 =	vld [tilespmem:s10+$0x0];
	_ =	sdelay $0x5  }
0x19: {  	s8 =	sadd.s32 $0x1, s8  }
0x1a: {  	p0 =	sne.s32 s8, s5  }
.Ltmp2:
0x1b: {  	[tilespmem:v2+s7+$0x0] =	vst.idx.add.f32.msk $0xffff, v1;
	(pc) =	sbr.rel @p0 .LBB2_1-.Ltmp2, $4  }
0x1c: {  	[hbm4b:s4+s2] =	stream.linear.scatter [tilespmem:s7], [sflag:$0x1], $0x2780, $0x38;
	[tilespmem:$0x4F80] =	vst v63  }
0x1d: {  	_ =	swait.ge [sflag:s6], $0x2780  }
0x1e: {  	[sflag:s6] =	ssyncset.done $0x0  }
0x1f: {  	[sflag:s6] =	ssyncadd.s32 $0xFFFFD880  }
0x20: {  	_ =	sfence.sel $0x180000  }
0x21: {  	[bflag:$0x0] =	sbarrier.arrive $0xFFFF  }
0x22: {  	p0 =	sne.s32 s0, $0x0;
	_ =	strace $0x90000047  }
0x23: {  	s0 =	sadd.s32 @!p0 $0x100000, s1;
	[bflag:$0x2] =	sbarrier.arrive $0xFFFF  }
0x24: {  	[sflag:s0] =	ssyncadd.tile.s32 @!p0 $0x1;
	_ =	shalt  }
.Lfunc_end2:
_tile_overlayer_lowered:
.L_overlay_start_2:
0x25: {  	(tag) =	ssettag $0x2  }
0x26: {  	s0 =	rddreg [dreg:$0x0];
	s2 =	stileid.u32  }
0x27: {  	s1 =	rddreg [dreg:$0x1];
	p0 =	sne.s32 s2, $0x0  }
0x28: {  	s3 =	rddreg [dreg:$0x2];
	[bflag:$0x3] =	sbarrier.arrive $0xFFFF;
	s2 =	simm.s32 @!p0 $0x1C01  }
0x29: {  	[timem:s3], [sflag:s2] =	dma.local @!p0 [hbm:s0], s1  }
0x2a: {  	s0 =	simm.s32 @!p0 $0x1  }
0x2b: {  	_ =	swait.ge @!p0 [sflag:s0], s1  }
0x2c: {  	s1 =	ssub.s32 @!p0 $0x0, s1;
	[sflag:s0] =	ssyncset.done @!p0 $0x0  }
0x2d: {  	[sflag:s0] =	ssyncadd.s32 @!p0 s1  }
0x2e: {  	[bflag:$0x3] =	sbarrier.arrive $0xFFFF  }
0x2f: {  	_ =	shalt  }

</sc_bundles>
